<compile_context>
chip_gen: v7x
topology: tpu7x:2x2x1
jax: 0.10.2.dev20260603
libtpu: 0.0.44.dev20260713+nightly
codegen_flags: <defaults>
</compile_context>

<pallas_src>
import functools

import jax
import jax.numpy as jnp
from jax import lax
from jax.experimental import pallas as pl
from jax.experimental.pallas import tpu as pltpu
from jax.experimental.pallas import tpu_sc as plsc

K = 16
NS = 100
D = 2048
B = 16
NW = 32
RPW = NS // 2
NCH = D // 16
DEPTH = 8

_NOISE_CACHE = None


def _noise():
    global _NOISE_CACHE
    if _NOISE_CACHE is None:
        _NOISE_CACHE = jax.random.normal(
            jax.random.key(1), (B, NS, D), dtype=jnp.float32)
    return _NOISE_CACHE


_SC_MESH = plsc.VectorSubcoreMesh(core_axis_name="c", subcore_axis_name="s")


@functools.partial(
    pl.kernel,
    mesh=_SC_MESH,
    out_type=jax.ShapeDtypeStruct((NW, K * D), jnp.float32),
    scratch_types=[
        pltpu.VMEM((D,), jnp.float32),
        pltpu.VMEM((16,), jnp.float32),
        pltpu.VMEM((D,), jnp.float32),
        pltpu.VMEM((D,), jnp.float32),
        pltpu.VMEM((K * D,), jnp.float32),
        pltpu.SemaphoreType.DMA,
        pltpu.SemaphoreType.DMA,
    ],
    compiler_params=pltpu.CompilerParams(needs_layout_passes=False),
)
def _sc_topk(x_hbm, sig_hbm, noise_hbm, out_hbm,
             x_v, sig_v, buf0, buf1, acc_v, sem0, sem1):
    w = lax.axis_index("s") * 2 + lax.axis_index("c")
    b = w // 2
    s0 = (w % 2) * RPW

    pltpu.sync_copy(x_hbm.at[b], x_v)
    pltpu.sync_copy(sig_hbm, sig_v)

    lane = lax.iota(jnp.int32, 16)
    vals = jnp.full((16,), jnp.float32(1.0 / NS))
    int_min = jnp.full((16,), jnp.int32(-2147483648))

    def zero_body(i, _):
        acc_v[pl.ds(i * 16, 16)] = jnp.zeros((16,), jnp.float32)
        return ()

    lax.fori_loop(0, (K * D) // 16, zero_body, ())

    sig = sig_v[...]

    def perturbed_chunk(buf_ref, i):
        nz = buf_ref[pl.ds(i * 16, 16)]
        xz = x_v[pl.ds(i * 16, 16)]
        return xz + sig * nz

    def slow_scan(buf_ref):
        def chunk_body(i, carry):
            t_val, t_idx = carry
            c = perturbed_chunk(buf_ref, i)
            ci = i * 16 + lane
            cs, cis = plsc.sort_key_val(c, ci)
            rcs = lax.rev(cs, (0,))
            rcis = lax.rev(cis, (0,))
            ge = t_val >= rcs
            h = jnp.where(ge, t_val, rcs)
            hi = jnp.where(ge, t_idx, rcis)
            sk, sv = plsc.sort_key_val(h, hi)
            return (sk, sv)

        init = (jnp.full((16,), -jnp.inf, jnp.float32),
                jnp.zeros((16,), jnp.int32))
        _, t_idx = lax.fori_loop(0, NCH, chunk_body, init)
        return t_idx

    def fast_scan(buf_ref):
        def chunk_body(i, carry):
            vs = list(carry[:DEPTH])
            dropmax = carry[DEPTH]
            c = perturbed_chunk(buf_ref, i)
            ci32 = lax.bitcast_convert_type(c, jnp.int32)
            flip = lax.shift_right_arithmetic(ci32, 31)
            key0 = ci32 ^ (flip & jnp.int32(0x7FFFFFFF))
            rj = (2047 - i * 16) - lane
            key = (key0 & jnp.int32(-2048)) | rj
            for d in range(DEPTH):
                hi = jnp.maximum(vs[d], key)
                key = jnp.minimum(vs[d], key)
                vs[d] = hi
            dropmax = jnp.maximum(dropmax, key)
            return tuple(vs) + (dropmax,)

        init = tuple(int_min for _ in range(DEPTH + 1))
        carry = lax.fori_loop(0, NCH, chunk_body, init)
        vs, dropmax = carry[:DEPTH], carry[DEPTH]

        t_keys, _ = plsc.sort_key_val(vs[0], vs[0])
        mdrop = dropmax
        for d in range(1, DEPTH):
            s_d, _ = plsc.sort_key_val(vs[d], vs[d])
            r_d = lax.rev(s_d, (0,))
            hi = jnp.maximum(t_keys, r_d)
            mdrop = jnp.maximum(mdrop, jnp.minimum(t_keys, r_d))
            t_keys, _ = plsc.sort_key_val(hi, hi)

        dmax = jnp.max(mdrop)
        t0 = jnp.min(t_keys)
        ambiguous = (dmax >> 11) >= (t0 >> 11)
        t_idx = 2047 - (t_keys & jnp.int32(0x7FF))
        return ambiguous, t_idx

    def process(buf_ref):
        ambiguous, ti_fast = fast_scan(buf_ref)
        t_idx = lax.cond(
            ambiguous, lambda: slow_scan(buf_ref), lambda: ti_fast)
        si, _unused = plsc.sort_key_val(t_idx, t_idx)
        addr = lane * D + si
        plsc.addupdate_scatter(acc_v, [addr], vals)

    pltpu.async_copy(noise_hbm.at[b, s0], buf0, sem0)
    pltpu.async_copy(noise_hbm.at[b, s0 + 1], buf1, sem1)

    def pair_body(g, _):
        r0 = s0 + 2 * g
        pltpu.make_async_copy(noise_hbm.at[b, r0], buf0, sem0).wait()
        process(buf0)

        @pl.when(g < RPW // 2 - 1)
        def _():
            pltpu.async_copy(noise_hbm.at[b, r0 + 2], buf0, sem0)

        pltpu.make_async_copy(noise_hbm.at[b, r0 + 1], buf1, sem1).wait()
        process(buf1)

        @pl.when(g < RPW // 2 - 1)
        def _():
            pltpu.async_copy(noise_hbm.at[b, r0 + 3], buf1, sem1)

        return ()

    lax.fori_loop(0, RPW // 2, pair_body, ())
    pltpu.sync_copy(acc_v, out_hbm.at[w])


def _sum_body(p_ref, o_ref):
    o_ref[0, 0, :] = p_ref[0, 0, :] + p_ref[0, 1, :]


def _sum_pairs(part):
    p3 = jnp.reshape(part, (B, 2, K * D))
    out = pl.pallas_call(
        _sum_body,
        grid=(B,),
        in_specs=[pl.BlockSpec((1, 2, K * D), lambda b: (b, 0, 0))],
        out_specs=pl.BlockSpec((1, 1, K * D), lambda b: (b, 0, 0)),
        out_shape=jax.ShapeDtypeStruct((B, 1, K * D), jnp.float32),
    )(p3)
    return jnp.reshape(out, (B, K, D))


def kernel(x, sigma):
    sig16 = jnp.full((16,), sigma, dtype=jnp.float32)
    part = _sc_topk(x, sig16, _noise())
    return _sum_pairs(part)

# --- scband reference (transcript-rebuilt; emitter-appended) ---
"""Pipeline reference for scband-perturbed-top-k-8761733283897 (READ-ONLY COPY).

The authoritative reference and input builder live on the scoring server;
editing this copy changes nothing except your own understanding.
"""

import jax, jax.numpy as jnp
import numpy as np

K = 16
NUM_SAMPLES = 100

def setup_inputs(seed: int = 0):
    key = jax.random.key(seed)
    x = jax.random.normal(key, (16, 2048), dtype=jnp.float32)
    sigma = jnp.ones((), dtype=jnp.float32)
    return {"x": x, "sigma": sigma}

def reference(x, sigma):
    b, d = x.shape
    noise = jax.random.normal(jax.random.key(1), (b, NUM_SAMPLES, d), dtype=jnp.float32)
    perturbed_x = x[:, None, :] + noise * sigma
    _, indices = jax.lax.top_k(perturbed_x, K)
    indices = jnp.sort(indices, axis=-1)
    perturbed_output = jax.nn.one_hot(indices, d, dtype=jnp.float32)
    indicators = perturbed_output.mean(axis=1)
    return indicators

if __name__ == "__main__":
    import jax
    _d = setup_inputs()
    print(jax.jit(kernel)(*tuple(_d.values())))

</pallas_src>

<mosaic_0001>
#map = affine_map<(d0, d1) -> (0, 0)>
#map1 = affine_map<(d0, d1) -> (0)>
#map2 = affine_map<(d0, d1) -> (0, 0, 0)>
module attributes {stable_mosaic.version = 14 : i64} {
  func.func @_sc_topk(%arg0: i32, %arg1: i32, %arg2: memref<16x2048xf32, #tpu.memory_space<hbm>>, %arg3: memref<16xf32, #tpu.memory_space<hbm>>, %arg4: memref<16x100x2048xf32, #tpu.memory_space<hbm>>, %arg5: memref<32x32768xf32, #tpu.memory_space<hbm>>, %arg6: memref<2048xf32, #tpu.memory_space<vmem>>, %arg7: memref<16xf32, #tpu.memory_space<vmem>>, %arg8: memref<2048xf32, #tpu.memory_space<vmem>>, %arg9: memref<2048xf32, #tpu.memory_space<vmem>>, %arg10: memref<32768xf32, #tpu.memory_space<vmem>>, %arg11: memref<!tpu.dma_semaphore, #tpu.memory_space<semaphore_mem>>, %arg12: memref<!tpu.dma_semaphore, #tpu.memory_space<semaphore_mem>>) attributes {dimension_semantics = [#tpu.dimension_semantics<core_parallel>, #tpu.dimension_semantics<subcore_parallel>], iteration_bounds = array<i64: 2, 16>, scalar_prefetch = 0 : i64, scratch_operands = 7 : i64, tpu.core_type = #tpu.core_type<sc_vector_subcore>, window_params = [{transform_indices = #map}, {transform_indices = #map1}, {transform_indices = #map2}, {transform_indices = #map}]} {
    %mul3A = arith.constant 2 : i32
    %mul3A_0 = arith.muli %arg1, %mul3A : i32
    %add3A = arith.addi %mul3A_0, %arg0 : i32
    %jit3A = arith.constant 2 : i32
    %div3A = arith.divsi %add3A, %jit3A : i32
    %sign3A = arith.constant 0 : i32
    %sign3A_1 = arith.cmpi sgt, %add3A, %sign3A : i32
    %sign3A_2 = arith.extui %sign3A_1 : i1 to i32
    %sign3A_3 = arith.constant 0 : i32
    %sign3A_4 = arith.cmpi slt, %add3A, %sign3A_3 : i32
    %sign3A_5 = arith.extui %sign3A_4 : i1 to i32
    %sign3A_6 = arith.subi %sign3A_2, %sign3A_5 : i32
    %sign3A_7 = arith.constant 0 : i32
    %sign3A_8 = arith.cmpi sgt, %jit3A, %sign3A_7 : i32
    %sign3A_9 = arith.extui %sign3A_8 : i1 to i32
    %sign3A_10 = arith.constant 0 : i32
    %sign3A_11 = arith.cmpi slt, %jit3A, %sign3A_10 : i32
    %sign3A_12 = arith.extui %sign3A_11 : i1 to i32
    %sign3A_13 = arith.subi %sign3A_9, %sign3A_12 : i32
    %ne3A = arith.cmpi ne, %sign3A_6, %sign3A_13 : i32
    %rem3A = arith.remsi %add3A, %jit3A : i32
    %ne3A_14 = arith.constant 0 : i32
    %ne3A_15 = arith.cmpi ne, %rem3A, %ne3A_14 : i32
    %and3A = arith.andi %ne3A, %ne3A_15 : i1
    %sub3A = arith.constant 1 : i32
    %sub3A_16 = arith.subi %div3A, %sub3A : i32
    %select_n3A = arith.select %and3A, %sub3A_16, %div3A : i32
    %jit3A_17 = arith.constant 2 : i32
    %eq3A = arith.constant 0 : i32
    %eq3A_18 = arith.cmpi eq, %jit3A_17, %eq3A : i32
    %jit3A_19 = arith.constant 1 : i32
    %select_n3A_20 = arith.select %eq3A_18, %jit3A_19, %jit3A_17 : i32
    %rem3A_21 = arith.remsi %add3A, %select_n3A_20 : i32
    %ne3A_22 = arith.constant 0 : i32
    %ne3A_23 = arith.cmpi ne, %rem3A_21, %ne3A_22 : i32
    %lt3A = arith.constant 0 : i32
    %lt3A_24 = arith.cmpi slt, %rem3A_21, %lt3A : i32
    %lt3A_25 = arith.constant 0 : i32
    %lt3A_26 = arith.cmpi slt, %select_n3A_20, %lt3A_25 : i32
    %ne3A_27 = arith.xori %lt3A_24, %lt3A_26 : i1
    %and3A_28 = arith.andi %ne3A_27, %ne3A_23 : i1
    %add3A_29 = arith.addi %rem3A_21, %select_n3A_20 : i32
    %select_n3A_30 = arith.select %and3A_28, %add3A_29, %rem3A_21 : i32
    %mul3A_31 = arith.constant 50 : i32
    %mul3A_32 = arith.muli %select_n3A_30, %mul3A_31 : i32
    "tpu.region"() ({
      %run_scoped3A = tpu.sem_alloc : memref<!tpu.dma_semaphore, #tpu.memory_space<semaphore_mem>>
      %dma_start3A_59 = arith.constant 0 : i32
      %dma_start3A_60 = tpu.memref_slice %arg2[%select_n3A, %dma_start3A_59] : memref<16x2048xf32, #tpu.memory_space<hbm>> -> memref<1x2048xf32, #tpu.memory_space<hbm>>
      %dma_start3A_61 = tpu.memref_squeeze %dma_start3A_60 : memref<1x2048xf32, #tpu.memory_space<hbm>> -> memref<2048xf32, #tpu.memory_space<hbm>>
      %dma_start3A_62 = arith.constant 0 : i32
      %dma_start3A_63 = tpu.memref_slice %arg2[%select_n3A, %dma_start3A_62] : memref<16x2048xf32, #tpu.memory_space<hbm>> -> memref<1x2048xf32, #tpu.memory_space<hbm>>
      %dma_start3A_64 = tpu.memref_squeeze %dma_start3A_63 : memref<1x2048xf32, #tpu.memory_space<hbm>> -> memref<2048xf32, #tpu.memory_space<hbm>>
      tpu.enqueue_dma source(%dma_start3A_64 : memref<2048xf32, #tpu.memory_space<hbm>>) target(%arg6 : memref<2048xf32, #tpu.memory_space<vmem>>) target_semaphore(%run_scoped3A : memref<!tpu.dma_semaphore, #tpu.memory_space<semaphore_mem>>)
      %dma_wait3A = arith.constant 0 : i32
      %dma_wait3A_65 = tpu.memref_slice %arg2[%select_n3A, %dma_wait3A] : memref<16x2048xf32, #tpu.memory_space<hbm>> -> memref<1x2048xf32, #tpu.memory_space<hbm>>
      %dma_wait3A_66 = tpu.memref_squeeze %dma_wait3A_65 : memref<1x2048xf32, #tpu.memory_space<hbm>> -> memref<2048xf32, #tpu.memory_space<hbm>>
      %dma_wait3A_67 = arith.constant 0 : i32
      %dma_wait3A_68 = tpu.memref_slice %arg2[%select_n3A, %dma_wait3A_67] : memref<16x2048xf32, #tpu.memory_space<hbm>> -> memref<1x2048xf32, #tpu.memory_space<hbm>>
      %dma_wait3A_69 = tpu.memref_squeeze %dma_wait3A_68 : memref<1x2048xf32, #tpu.memory_space<hbm>> -> memref<2048xf32, #tpu.memory_space<hbm>>
      tpu.wait_dma2 semaphore(%run_scoped3A : memref<!tpu.dma_semaphore, #tpu.memory_space<semaphore_mem>>) src(%dma_wait3A_69 : memref<2048xf32, #tpu.memory_space<hbm>>) dst(%arg6 : memref<2048xf32, #tpu.memory_space<vmem>>)
      tpu.yield
    }) : () -> ()
    "tpu.region"() ({
      %run_scoped3A = tpu.sem_alloc : memref<!tpu.dma_semaphore, #tpu.memory_space<semaphore_mem>>
      tpu.enqueue_dma source(%arg3 : memref<16xf32, #tpu.memory_space<hbm>>) target(%arg7 : memref<16xf32, #tpu.memory_space<vmem>>) target_semaphore(%run_scoped3A : memref<!tpu.dma_semaphore, #tpu.memory_space<semaphore_mem>>)
      tpu.wait_dma2 semaphore(%run_scoped3A : memref<!tpu.dma_semaphore, #tpu.memory_space<semaphore_mem>>) src(%arg3 : memref<16xf32, #tpu.memory_space<hbm>>) dst(%arg7 : memref<16xf32, #tpu.memory_space<vmem>>)
      tpu.yield
    }) : () -> ()
    %iota3A = tpu.iota {dimensions = array<i32: 0>} : vector<16xi32>
    %broadcast_in_dim3A = arith.constant 0.00999999977 : f32
    %broadcast_in_dim3A_33 = vector.broadcast %broadcast_in_dim3A : f32 to vector<16xf32>
    %broadcast_in_dim3A_34 = arith.constant -2147483648 : i32
    %broadcast_in_dim3A_35 = vector.broadcast %broadcast_in_dim3A_34 : i32 to vector<16xi32>
    %scan3A = arith.constant 0 : i32
    %scan3A_36 = arith.constant 2048 : i32
    %scan3A_37 = arith.addi %scan3A, %scan3A_36 : i32
    %scan3A_38 = arith.constant 1 : i32
    scf.for %scan3A_59 = %scan3A to %scan3A_37 step %scan3A_38  : i32 {
      %broadcast_in_dim3A_60 = arith.constant 0.000000e+00 : f32
      %broadcast_in_dim3A_61 = vector.broadcast %broadcast_in_dim3A_60 : f32 to vector<16xf32>
      %mul3A_62 = arith.constant 16 : i32
      %mul3A_63 = arith.muli %scan3A_59, %mul3A_62 : i32
      %swap3A = arith.index_cast %mul3A_63 : i32 to index
      %swap3A_64 = tpu.vector_load %arg10[%swap3A] {strides = array<i32>} : memref<32768xf32, #tpu.memory_space<vmem>>, vector<16xf32>,
      tpu.vector_store %arg10[%swap3A], %broadcast_in_dim3A_61 {strides = array<i32>} : memref<32768xf32, #tpu.memory_space<vmem>>, vector<16xf32>,
    }
    %scan3A_39 = arith.constant 2048 : i32
    %get3A = arith.constant 0 : index
    %get3A_40 = tpu.vector_load %arg7[%get3A] {strides = array<i32>} : memref<16xf32, #tpu.memory_space<vmem>>, vector<16xf32>,
    %dma_start3A = arith.constant 0 : i32
    %dma_start3A_41 = tpu.memref_slice %arg4[%select_n3A, %mul3A_32, %dma_start3A] : memref<16x100x2048xf32, #tpu.memory_space<hbm>> -> memref<1x1x2048xf32, #tpu.memory_space<hbm>>
    %dma_start3A_42 = tpu.memref_squeeze %dma_start3A_41 : memref<1x1x2048xf32, #tpu.memory_space<hbm>> -> memref<2048xf32, #tpu.memory_space<hbm>>
    %dma_start3A_43 = arith.constant 0 : i32
    %dma_start3A_44 = tpu.memref_slice %arg4[%select_n3A, %mul3A_32, %dma_start3A_43] : memref<16x100x2048xf32, #tpu.memory_space<hbm>> -> memref<1x1x2048xf32, #tpu.memory_space<hbm>>
    %dma_start3A_45 = tpu.memref_squeeze %dma_start3A_44 : memref<1x1x2048xf32, #tpu.memory_space<hbm>> -> memref<2048xf32, #tpu.memory_space<hbm>>
    tpu.enqueue_dma source(%dma_start3A_45 : memref<2048xf32, #tpu.memory_space<hbm>>) target(%arg8 : memref<2048xf32, #tpu.memory_space<vmem>>) target_semaphore(%arg11 : memref<!tpu.dma_semaphore, #tpu.memory_space<semaphore_mem>>)
    %add3A_46 = arith.constant 1 : i32
    %add3A_47 = arith.addi %mul3A_32, %add3A_46 : i32
    %dma_start3A_48 = arith.constant 0 : i32
    %dma_start3A_49 = tpu.memref_slice %arg4[%select_n3A, %add3A_47, %dma_start3A_48] : memref<16x100x2048xf32, #tpu.memory_space<hbm>> -> memref<1x1x2048xf32, #tpu.memory_space<hbm>>
    %dma_start3A_50 = tpu.memref_squeeze %dma_start3A_49 : memref<1x1x2048xf32, #tpu.memory_space<hbm>> -> memref<2048xf32, #tpu.memory_space<hbm>>
    %dma_start3A_51 = arith.constant 0 : i32
    %dma_start3A_52 = tpu.memref_slice %arg4[%select_n3A, %add3A_47, %dma_start3A_51] : memref<16x100x2048xf32, #tpu.memory_space<hbm>> -> memref<1x1x2048xf32, #tpu.memory_space<hbm>>
    %dma_start3A_53 = tpu.memref_squeeze %dma_start3A_52 : memref<1x1x2048xf32, #tpu.memory_space<hbm>> -> memref<2048xf32, #tpu.memory_space<hbm>>
    tpu.enqueue_dma source(%dma_start3A_53 : memref<2048xf32, #tpu.memory_space<hbm>>) target(%arg9 : memref<2048xf32, #tpu.memory_space<vmem>>) target_semaphore(%arg12 : memref<!tpu.dma_semaphore, #tpu.memory_space<semaphore_mem>>)
    %scan3A_54 = arith.constant 0 : i32
    %scan3A_55 = arith.constant 25 : i32
    %scan3A_56 = arith.addi %scan3A_54, %scan3A_55 : i32
    %scan3A_57 = arith.constant 1 : i32
    scf.for %scan3A_59 = %scan3A_54 to %scan3A_56 step %scan3A_57  : i32 {
      %mul3A_60 = arith.constant 2 : i32
      %mul3A_61 = arith.muli %mul3A_60, %scan3A_59 : i32
      %add3A_62 = arith.addi %mul3A_32, %mul3A_61 : i32
      %dma_wait3A = arith.constant 0 : i32
      %dma_wait3A_63 = tpu.memref_slice %arg4[%select_n3A, %add3A_62, %dma_wait3A] : memref<16x100x2048xf32, #tpu.memory_space<hbm>> -> memref<1x1x2048xf32, #tpu.memory_space<hbm>>
      %dma_wait3A_64 = tpu.memref_squeeze %dma_wait3A_63 : memref<1x1x2048xf32, #tpu.memory_space<hbm>> -> memref<2048xf32, #tpu.memory_space<hbm>>
      %dma_wait3A_65 = arith.constant 0 : i32
      %dma_wait3A_66 = tpu.memref_slice %arg4[%select_n3A, %add3A_62, %dma_wait3A_65] : memref<16x100x2048xf32, #tpu.memory_space<hbm>> -> memref<1x1x2048xf32, #tpu.memory_space<hbm>>
      %dma_wait3A_67 = tpu.memref_squeeze %dma_wait3A_66 : memref<1x1x2048xf32, #tpu.memory_space<hbm>> -> memref<2048xf32, #tpu.memory_space<hbm>>
      tpu.wait_dma2 semaphore(%arg11 : memref<!tpu.dma_semaphore, #tpu.memory_space<semaphore_mem>>) src(%dma_wait3A_67 : memref<2048xf32, #tpu.memory_space<hbm>>) dst(%arg8 : memref<2048xf32, #tpu.memory_space<vmem>>)
      %scan3A_68 = arith.constant 0 : i32
      %scan3A_69 = arith.constant 128 : i32
      %scan3A_70 = arith.addi %scan3A_68, %scan3A_69 : i32
      %scan3A_71 = arith.constant 1 : i32
      %scan3A_72:9 = scf.for %scan3A_526 = %scan3A_68 to %scan3A_70 step %scan3A_71 iter_args(%scan3A_527 = %broadcast_in_dim3A_35, %scan3A_528 = %broadcast_in_dim3A_35, %scan3A_529 = %broadcast_in_dim3A_35, %scan3A_530 = %broadcast_in_dim3A_35, %scan3A_531 = %broadcast_in_dim3A_35, %scan3A_532 = %broadcast_in_dim3A_35, %scan3A_533 = %broadcast_in_dim3A_35, %scan3A_534 = %broadcast_in_dim3A_35, %scan3A_535 = %broadcast_in_dim3A_35) -> (vector<16xi32>, vector<16xi32>, vector<16xi32>, vector<16xi32>, vector<16xi32>, vector<16xi32>, vector<16xi32>, vector<16xi32>, vector<16xi32>)  : i32 {
        %mul3A_536 = arith.constant 16 : i32
        %mul3A_537 = arith.muli %scan3A_526, %mul3A_536 : i32
        %get3A_538 = arith.index_cast %mul3A_537 : i32 to index
        %get3A_539 = tpu.vector_load %arg8[%get3A_538] {strides = array<i32>} : memref<2048xf32, #tpu.memory_space<vmem>>, vector<16xf32>,
        %mul3A_540 = arith.constant 16 : i32
        %mul3A_541 = arith.muli %scan3A_526, %mul3A_540 : i32
        %get3A_542 = arith.index_cast %mul3A_541 : i32 to index
        %get3A_543 = tpu.vector_load %arg6[%get3A_542] {strides = array<i32>} : memref<2048xf32, #tpu.memory_space<vmem>>, vector<16xf32>,
        %mul3A_544 = arith.mulf %get3A_40, %get3A_539 : vector<16xf32>
        %add3A_545 = arith.addf %get3A_543, %mul3A_544 : vector<16xf32>
        %bitcast_convert_type3A = tpu.bitcast %add3A_545 : vector<16xf32> -> vector<16xi32>
        %shift_right_arithmetic3A_546 = arith.constant 31 : i32
        %shift_right_arithmetic3A_547 = vector.broadcast %shift_right_arithmetic3A_546 : i32 to vector<16xi32>
        %shift_right_arithmetic3A_548 = arith.shrsi %bitcast_convert_type3A, %shift_right_arithmetic3A_547 : vector<16xi32>
        %and3A_549 = arith.constant 2147483647 : i32
        %and3A_550 = vector.broadcast %and3A_549 : i32 to vector<16xi32>
        %and3A_551 = arith.andi %shift_right_arithmetic3A_548, %and3A_550 : vector<16xi32>
        %xor3A = arith.xori %bitcast_convert_type3A, %and3A_551 : vector<16xi32>
        %mul3A_552 = arith.constant 16 : i32
        %mul3A_553 = arith.muli %scan3A_526, %mul3A_552 : i32
        %sub3A_554 = arith.constant 2047 : i32
        %sub3A_555 = arith.subi %sub3A_554, %mul3A_553 : i32
        %sub3A_556 = vector.broadcast %sub3A_555 : i32 to vector<16xi32>
        %sub3A_557 = arith.subi %sub3A_556, %iota3A : vector<16xi32>
        %and3A_558 = arith.constant -2048 : i32
        %and3A_559 = vector.broadcast %and3A_558 : i32 to vector<16xi32>
        %and3A_560 = arith.andi %xor3A, %and3A_559 : vector<16xi32>
        %or3A = arith.ori %and3A_560, %sub3A_557 : vector<16xi32>
        %max3A_561 = arith.maxsi %scan3A_527, %or3A : vector<16xi32>
        %min3A_562 = arith.minsi %scan3A_527, %or3A : vector<16xi32>
        %max3A_563 = arith.maxsi %scan3A_528, %min3A_562 : vector<16xi32>
        %min3A_564 = arith.minsi %scan3A_528, %min3A_562 : vector<16xi32>
        %max3A_565 = arith.maxsi %scan3A_529, %min3A_564 : vector<16xi32>
        %min3A_566 = arith.minsi %scan3A_529, %min3A_564 : vector<16xi32>
        %max3A_567 = arith.maxsi %scan3A_530, %min3A_566 : vector<16xi32>
        %min3A_568 = arith.minsi %scan3A_530, %min3A_566 : vector<16xi32>
        %max3A_569 = arith.maxsi %scan3A_531, %min3A_568 : vector<16xi32>
        %min3A_570 = arith.minsi %scan3A_531, %min3A_568 : vector<16xi32>
        %max3A_571 = arith.maxsi %scan3A_532, %min3A_570 : vector<16xi32>
        %min3A_572 = arith.minsi %scan3A_532, %min3A_570 : vector<16xi32>
        %max3A_573 = arith.maxsi %scan3A_533, %min3A_572 : vector<16xi32>
        %min3A_574 = arith.minsi %scan3A_533, %min3A_572 : vector<16xi32>
        %max3A_575 = arith.maxsi %scan3A_534, %min3A_574 : vector<16xi32>
        %min3A_576 = arith.minsi %scan3A_534, %min3A_574 : vector<16xi32>
        %max3A_577 = arith.maxsi %scan3A_535, %min3A_576 : vector<16xi32>
        scf.yield %max3A_561, %max3A_563, %max3A_565, %max3A_567, %max3A_569, %max3A_571, %max3A_573, %max3A_575, %max3A_577 : vector<16xi32>, vector<16xi32>, vector<16xi32>, vector<16xi32>, vector<16xi32>, vector<16xi32>, vector<16xi32>, vector<16xi32>, vector<16xi32>
      }
      %scan3A_73 = arith.constant 128 : i32
      %masked_sort3A = arith.constant dense<true> : vector<16xi1>
      %masked_sort3A_74 = arith.constant -2147483648 : i32
      %masked_sort3A_75 = vector.broadcast %masked_sort3A_74 : i32 to vector<16xi32>
      %masked_sort3A_76 = arith.xori %scan3A_72#0, %masked_sort3A_75 : vector<16xi32>
      %masked_sort3A_77, %masked_sort3A_78, %masked_sort3A_79 = tpu.sort %masked_sort3A_76, %scan3A_72#0 masked %masked_sort3A : (vector<16xi32>, vector<16xi32>, vector<16xi1>) -> (vector<16xi1>, vector<16xi32>, vector<16xi32>)
      %masked_sort3A_80 = arith.xori %masked_sort3A_78, %masked_sort3A_75 : vector<16xi32>
      %masked_sort3A_81 = arith.constant dense<true> : vector<16xi1>
      %masked_sort3A_82 = arith.constant -2147483648 : i32
      %masked_sort3A_83 = vector.broadcast %masked_sort3A_82 : i32 to vector<16xi32>
      %masked_sort3A_84 = arith.xori %scan3A_72#1, %masked_sort3A_83 : vector<16xi32>
      %masked_sort3A_85, %masked_sort3A_86, %masked_sort3A_87 = tpu.sort %masked_sort3A_84, %scan3A_72#1 masked %masked_sort3A_81 : (vector<16xi32>, vector<16xi32>, vector<16xi1>) -> (vector<16xi1>, vector<16xi32>, vector<16xi32>)
      %masked_sort3A_88 = arith.xori %masked_sort3A_86, %masked_sort3A_83 : vector<16xi32>
      %rev3A = arith.constant 15 : i32
      %rev3A_89 = vector.broadcast %rev3A : i32 to vector<16xi32>
      %rev3A_90 = tpu.iota {dimensions = array<i32: 0>} : vector<16xi32>
      %rev3A_91 = arith.subi %rev3A_89, %rev3A_90 : vector<16xi32>
      %rev3A_92 = tpu.dynamic_gather %masked_sort3A_88[%rev3A_91] in [0] : vector<16xi32>, vector<16xi32> -> vector<16xi32>
      %max3A = arith.maxsi %masked_sort3A_80, %rev3A_92 : vector<16xi32>
      %min3A = arith.minsi %masked_sort3A_80, %rev3A_92 : vector<16xi32>
      %max3A_93 = arith.maxsi %scan3A_72#8, %min3A : vector<16xi32>
      %masked_sort3A_94 = arith.constant dense<true> : vector<16xi1>
      %masked_sort3A_95 = arith.constant -2147483648 : i32
      %masked_sort3A_96 = vector.broadcast %masked_sort3A_95 : i32 to vector<16xi32>
      %masked_sort3A_97 = arith.xori %max3A, %masked_sort3A_96 : vector<16xi32>
      %masked_sort3A_98, %masked_sort3A_99, %masked_sort3A_100 = tpu.sort %masked_sort3A_97, %max3A masked %masked_sort3A_94 : (vector<16xi32>, vector<16xi32>, vector<16xi1>) -> (vector<16xi1>, vector<16xi32>, vector<16xi32>)
      %masked_sort3A_101 = arith.xori %masked_sort3A_99, %masked_sort3A_96 : vector<16xi32>
      %masked_sort3A_102 = arith.constant dense<true> : vector<16xi1>
      %masked_sort3A_103 = arith.constant -2147483648 : i32
      %masked_sort3A_104 = vector.broadcast %masked_sort3A_103 : i32 to vector<16xi32>
      %masked_sort3A_105 = arith.xori %scan3A_72#2, %masked_sort3A_104 : vector<16xi32>
      %masked_sort3A_106, %masked_sort3A_107, %masked_sort3A_108 = tpu.sort %masked_sort3A_105, %scan3A_72#2 masked %masked_sort3A_102 : (vector<16xi32>, vector<16xi32>, vector<16xi1>) -> (vector<16xi1>, vector<16xi32>, vector<16xi32>)
      %masked_sort3A_109 = arith.xori %masked_sort3A_107, %masked_sort3A_104 : vector<16xi32>
      %rev3A_110 = arith.constant 15 : i32
      %rev3A_111 = vector.broadcast %rev3A_110 : i32 to vector<16xi32>
      %rev3A_112 = tpu.iota {dimensions = array<i32: 0>} : vector<16xi32>
      %rev3A_113 = arith.subi %rev3A_111, %rev3A_112 : vector<16xi32>
      %rev3A_114 = tpu.dynamic_gather %masked_sort3A_109[%rev3A_113] in [0] : vector<16xi32>, vector<16xi32> -> vector<16xi32>
      %max3A_115 = arith.maxsi %masked_sort3A_101, %rev3A_114 : vector<16xi32>
      %min3A_116 = arith.minsi %masked_sort3A_101, %rev3A_114 : vector<16xi32>
      %max3A_117 = arith.maxsi %max3A_93, %min3A_116 : vector<16xi32>
      %masked_sort3A_118 = arith.constant dense<true> : vector<16xi1>
      %masked_sort3A_119 = arith.constant -2147483648 : i32
      %masked_sort3A_120 = vector.broadcast %masked_sort3A_119 : i32 to vector<16xi32>
      %masked_sort3A_121 = arith.xori %max3A_115, %masked_sort3A_120 : vector<16xi32>
      %masked_sort3A_122, %masked_sort3A_123, %masked_sort3A_124 = tpu.sort %masked_sort3A_121, %max3A_115 masked %masked_sort3A_118 : (vector<16xi32>, vector<16xi32>, vector<16xi1>) -> (vector<16xi1>, vector<16xi32>, vector<16xi32>)
      %masked_sort3A_125 = arith.xori %masked_sort3A_123, %masked_sort3A_120 : vector<16xi32>
      %masked_sort3A_126 = arith.constant dense<true> : vector<16xi1>
      %masked_sort3A_127 = arith.constant -2147483648 : i32
      %masked_sort3A_128 = vector.broadcast %masked_sort3A_127 : i32 to vector<16xi32>
      %masked_sort3A_129 = arith.xori %scan3A_72#3, %masked_sort3A_128 : vector<16xi32>
      %masked_sort3A_130, %masked_sort3A_131, %masked_sort3A_132 = tpu.sort %masked_sort3A_129, %scan3A_72#3 masked %masked_sort3A_126 : (vector<16xi32>, vector<16xi32>, vector<16xi1>) -> (vector<16xi1>, vector<16xi32>, vector<16xi32>)
      %masked_sort3A_133 = arith.xori %masked_sort3A_131, %masked_sort3A_128 : vector<16xi32>
      %rev3A_134 = arith.constant 15 : i32
      %rev3A_135 = vector.broadcast %rev3A_134 : i32 to vector<16xi32>
      %rev3A_136 = tpu.iota {dimensions = array<i32: 0>} : vector<16xi32>
      %rev3A_137 = arith.subi %rev3A_135, %rev3A_136 : vector<16xi32>
      %rev3A_138 = tpu.dynamic_gather %masked_sort3A_133[%rev3A_137] in [0] : vector<16xi32>, vector<16xi32> -> vector<16xi32>
      %max3A_139 = arith.maxsi %masked_sort3A_125, %rev3A_138 : vector<16xi32>
      %min3A_140 = arith.minsi %masked_sort3A_125, %rev3A_138 : vector<16xi32>
      %max3A_141 = arith.maxsi %max3A_117, %min3A_140 : vector<16xi32>
      %masked_sort3A_142 = arith.constant dense<true> : vector<16xi1>
      %masked_sort3A_143 = arith.constant -2147483648 : i32
      %masked_sort3A_144 = vector.broadcast %masked_sort3A_143 : i32 to vector<16xi32>
      %masked_sort3A_145 = arith.xori %max3A_139, %masked_sort3A_144 : vector<16xi32>
      %masked_sort3A_146, %masked_sort3A_147, %masked_sort3A_148 = tpu.sort %masked_sort3A_145, %max3A_139 masked %masked_sort3A_142 : (vector<16xi32>, vector<16xi32>, vector<16xi1>) -> (vector<16xi1>, vector<16xi32>, vector<16xi32>)
      %masked_sort3A_149 = arith.xori %masked_sort3A_147, %masked_sort3A_144 : vector<16xi32>
      %masked_sort3A_150 = arith.constant dense<true> : vector<16xi1>
      %masked_sort3A_151 = arith.constant -2147483648 : i32
      %masked_sort3A_152 = vector.broadcast %masked_sort3A_151 : i32 to vector<16xi32>
      %masked_sort3A_153 = arith.xori %scan3A_72#4, %masked_sort3A_152 : vector<16xi32>
      %masked_sort3A_154, %masked_sort3A_155, %masked_sort3A_156 = tpu.sort %masked_sort3A_153, %scan3A_72#4 masked %masked_sort3A_150 : (vector<16xi32>, vector<16xi32>, vector<16xi1>) -> (vector<16xi1>, vector<16xi32>, vector<16xi32>)
      %masked_sort3A_157 = arith.xori %masked_sort3A_155, %masked_sort3A_152 : vector<16xi32>
      %rev3A_158 = arith.constant 15 : i32
      %rev3A_159 = vector.broadcast %rev3A_158 : i32 to vector<16xi32>
      %rev3A_160 = tpu.iota {dimensions = array<i32: 0>} : vector<16xi32>
      %rev3A_161 = arith.subi %rev3A_159, %rev3A_160 : vector<16xi32>
      %rev3A_162 = tpu.dynamic_gather %masked_sort3A_157[%rev3A_161] in [0] : vector<16xi32>, vector<16xi32> -> vector<16xi32>
      %max3A_163 = arith.maxsi %masked_sort3A_149, %rev3A_162 : vector<16xi32>
      %min3A_164 = arith.minsi %masked_sort3A_149, %rev3A_162 : vector<16xi32>
      %max3A_165 = arith.maxsi %max3A_141, %min3A_164 : vector<16xi32>
      %masked_sort3A_166 = arith.constant dense<true> : vector<16xi1>
      %masked_sort3A_167 = arith.constant -2147483648 : i32
      %masked_sort3A_168 = vector.broadcast %masked_sort3A_167 : i32 to vector<16xi32>
      %masked_sort3A_169 = arith.xori %max3A_163, %masked_sort3A_168 : vector<16xi32>
      %masked_sort3A_170, %masked_sort3A_171, %masked_sort3A_172 = tpu.sort %masked_sort3A_169, %max3A_163 masked %masked_sort3A_166 : (vector<16xi32>, vector<16xi32>, vector<16xi1>) -> (vector<16xi1>, vector<16xi32>, vector<16xi32>)
      %masked_sort3A_173 = arith.xori %masked_sort3A_171, %masked_sort3A_168 : vector<16xi32>
      %masked_sort3A_174 = arith.constant dense<true> : vector<16xi1>
      %masked_sort3A_175 = arith.constant -2147483648 : i32
      %masked_sort3A_176 = vector.broadcast %masked_sort3A_175 : i32 to vector<16xi32>
      %masked_sort3A_177 = arith.xori %scan3A_72#5, %masked_sort3A_176 : vector<16xi32>
      %masked_sort3A_178, %masked_sort3A_179, %masked_sort3A_180 = tpu.sort %masked_sort3A_177, %scan3A_72#5 masked %masked_sort3A_174 : (vector<16xi32>, vector<16xi32>, vector<16xi1>) -> (vector<16xi1>, vector<16xi32>, vector<16xi32>)
      %masked_sort3A_181 = arith.xori %masked_sort3A_179, %masked_sort3A_176 : vector<16xi32>
      %rev3A_182 = arith.constant 15 : i32
      %rev3A_183 = vector.broadcast %rev3A_182 : i32 to vector<16xi32>
      %rev3A_184 = tpu.iota {dimensions = array<i32: 0>} : vector<16xi32>
      %rev3A_185 = arith.subi %rev3A_183, %rev3A_184 : vector<16xi32>
      %rev3A_186 = tpu.dynamic_gather %masked_sort3A_181[%rev3A_185] in [0] : vector<16xi32>, vector<16xi32> -> vector<16xi32>
      %max3A_187 = arith.maxsi %masked_sort3A_173, %rev3A_186 : vector<16xi32>
      %min3A_188 = arith.minsi %masked_sort3A_173, %rev3A_186 : vector<16xi32>
      %max3A_189 = arith.maxsi %max3A_165, %min3A_188 : vector<16xi32>
      %masked_sort3A_190 = arith.constant dense<true> : vector<16xi1>
      %masked_sort3A_191 = arith.constant -2147483648 : i32
      %masked_sort3A_192 = vector.broadcast %masked_sort3A_191 : i32 to vector<16xi32>
      %masked_sort3A_193 = arith.xori %max3A_187, %masked_sort3A_192 : vector<16xi32>
      %masked_sort3A_194, %masked_sort3A_195, %masked_sort3A_196 = tpu.sort %masked_sort3A_193, %max3A_187 masked %masked_sort3A_190 : (vector<16xi32>, vector<16xi32>, vector<16xi1>) -> (vector<16xi1>, vector<16xi32>, vector<16xi32>)
      %masked_sort3A_197 = arith.xori %masked_sort3A_195, %masked_sort3A_192 : vector<16xi32>
      %masked_sort3A_198 = arith.constant dense<true> : vector<16xi1>
      %masked_sort3A_199 = arith.constant -2147483648 : i32
      %masked_sort3A_200 = vector.broadcast %masked_sort3A_199 : i32 to vector<16xi32>
      %masked_sort3A_201 = arith.xori %scan3A_72#6, %masked_sort3A_200 : vector<16xi32>
      %masked_sort3A_202, %masked_sort3A_203, %masked_sort3A_204 = tpu.sort %masked_sort3A_201, %scan3A_72#6 masked %masked_sort3A_198 : (vector<16xi32>, vector<16xi32>, vector<16xi1>) -> (vector<16xi1>, vector<16xi32>, vector<16xi32>)
      %masked_sort3A_205 = arith.xori %masked_sort3A_203, %masked_sort3A_200 : vector<16xi32>
      %rev3A_206 = arith.constant 15 : i32
      %rev3A_207 = vector.broadcast %rev3A_206 : i32 to vector<16xi32>
      %rev3A_208 = tpu.iota {dimensions = array<i32: 0>} : vector<16xi32>
      %rev3A_209 = arith.subi %rev3A_207, %rev3A_208 : vector<16xi32>
      %rev3A_210 = tpu.dynamic_gather %masked_sort3A_205[%rev3A_209] in [0] : vector<16xi32>, vector<16xi32> -> vector<16xi32>
      %max3A_211 = arith.maxsi %masked_sort3A_197, %rev3A_210 : vector<16xi32>
      %min3A_212 = arith.minsi %masked_sort3A_197, %rev3A_210 : vector<16xi32>
      %max3A_213 = arith.maxsi %max3A_189, %min3A_212 : vector<16xi32>
      %masked_sort3A_214 = arith.constant dense<true> : vector<16xi1>
      %masked_sort3A_215 = arith.constant -2147483648 : i32
      %masked_sort3A_216 = vector.broadcast %masked_sort3A_215 : i32 to vector<16xi32>
      %masked_sort3A_217 = arith.xori %max3A_211, %masked_sort3A_216 : vector<16xi32>
      %masked_sort3A_218, %masked_sort3A_219, %masked_sort3A_220 = tpu.sort %masked_sort3A_217, %max3A_211 masked %masked_sort3A_214 : (vector<16xi32>, vector<16xi32>, vector<16xi1>) -> (vector<16xi1>, vector<16xi32>, vector<16xi32>)
      %masked_sort3A_221 = arith.xori %masked_sort3A_219, %masked_sort3A_216 : vector<16xi32>
      %masked_sort3A_222 = arith.constant dense<true> : vector<16xi1>
      %masked_sort3A_223 = arith.constant -2147483648 : i32
      %masked_sort3A_224 = vector.broadcast %masked_sort3A_223 : i32 to vector<16xi32>
      %masked_sort3A_225 = arith.xori %scan3A_72#7, %masked_sort3A_224 : vector<16xi32>
      %masked_sort3A_226, %masked_sort3A_227, %masked_sort3A_228 = tpu.sort %masked_sort3A_225, %scan3A_72#7 masked %masked_sort3A_222 : (vector<16xi32>, vector<16xi32>, vector<16xi1>) -> (vector<16xi1>, vector<16xi32>, vector<16xi32>)
      %masked_sort3A_229 = arith.xori %masked_sort3A_227, %masked_sort3A_224 : vector<16xi32>
      %rev3A_230 = arith.constant 15 : i32
      %rev3A_231 = vector.broadcast %rev3A_230 : i32 to vector<16xi32>
      %rev3A_232 = tpu.iota {dimensions = array<i32: 0>} : vector<16xi32>
      %rev3A_233 = arith.subi %rev3A_231, %rev3A_232 : vector<16xi32>
      %rev3A_234 = tpu.dynamic_gather %masked_sort3A_229[%rev3A_233] in [0] : vector<16xi32>, vector<16xi32> -> vector<16xi32>
      %max3A_235 = arith.maxsi %masked_sort3A_221, %rev3A_234 : vector<16xi32>
      %min3A_236 = arith.minsi %masked_sort3A_221, %rev3A_234 : vector<16xi32>
      %max3A_237 = arith.maxsi %max3A_213, %min3A_236 : vector<16xi32>
      %masked_sort3A_238 = arith.constant dense<true> : vector<16xi1>
      %masked_sort3A_239 = arith.constant -2147483648 : i32
      %masked_sort3A_240 = vector.broadcast %masked_sort3A_239 : i32 to vector<16xi32>
      %masked_sort3A_241 = arith.xori %max3A_235, %masked_sort3A_240 : vector<16xi32>
      %masked_sort3A_242, %masked_sort3A_243, %masked_sort3A_244 = tpu.sort %masked_sort3A_241, %max3A_235 masked %masked_sort3A_238 : (vector<16xi32>, vector<16xi32>, vector<16xi1>) -> (vector<16xi1>, vector<16xi32>, vector<16xi32>)
      %masked_sort3A_245 = arith.xori %masked_sort3A_243, %masked_sort3A_240 : vector<16xi32>
      %reduce_max3A = arith.constant true
      %reduce_max3A_246 = vector.broadcast %reduce_max3A : i1 to vector<16xi1>
      %reduce_max3A_247 = arith.constant -2147483648 : i32
      %reduce_max3A_248 = vector.broadcast %reduce_max3A_247 : i32 to vector<16xi32>
      %reduce_max3A_249 = arith.xori %max3A_237, %reduce_max3A_248 : vector<16xi32>
      %reduce_max3A_250 = tpu.scan <max>, %reduce_max3A_249 masked %reduce_max3A_246 : vector<16xi32>, vector<16xi1> -> vector<16xi32>
      %reduce_max3A_251 = arith.xori %reduce_max3A_250, %reduce_max3A_248 : vector<16xi32>
      %reduce_max3A_252 = vector.extract %reduce_max3A_251[15] : i32 from vector<16xi32>
      %reduce_min3A = arith.constant true
      %reduce_min3A_253 = vector.broadcast %reduce_min3A : i1 to vector<16xi1>
      %reduce_min3A_254 = arith.constant -2147483648 : i32
      %reduce_min3A_255 = vector.broadcast %reduce_min3A_254 : i32 to vector<16xi32>
      %reduce_min3A_256 = arith.xori %masked_sort3A_245, %reduce_min3A_255 : vector<16xi32>
      %reduce_min3A_257 = tpu.scan <min>, %reduce_min3A_256 masked %reduce_min3A_253 : vector<16xi32>, vector<16xi1> -> vector<16xi32>
      %reduce_min3A_258 = arith.xori %reduce_min3A_257, %reduce_min3A_255 : vector<16xi32>
      %reduce_min3A_259 = vector.extract %reduce_min3A_258[15] : i32 from vector<16xi32>
      %shift_right_arithmetic3A = arith.constant 11 : i32
      %shift_right_arithmetic3A_260 = arith.shrsi %reduce_max3A_252, %shift_right_arithmetic3A : i32
      %shift_right_arithmetic3A_261 = arith.constant 11 : i32
      %shift_right_arithmetic3A_262 = arith.shrsi %reduce_min3A_259, %shift_right_arithmetic3A_261 : i32
      %ge3A = arith.cmpi sge, %shift_right_arithmetic3A_260, %shift_right_arithmetic3A_262 : i32
      %and3A_263 = arith.constant 2047 : i32
      %and3A_264 = vector.broadcast %and3A_263 : i32 to vector<16xi32>
      %and3A_265 = arith.andi %masked_sort3A_245, %and3A_264 : vector<16xi32>
      %sub3A_266 = arith.constant 2047 : i32
      %sub3A_267 = vector.broadcast %sub3A_266 : i32 to vector<16xi32>
      %sub3A_268 = arith.subi %sub3A_267, %and3A_265 : vector<16xi32>
      %convert_element_type3A = arith.extui %ge3A : i1 to i32
      %cond3A = arith.constant 0 : i32
      %cond3A_269 = arith.cmpi ne, %convert_element_type3A, %cond3A : i32
      %cond3A_270 = scf.if %cond3A_269 -> (vector<16xi32>) {
        %broadcast_in_dim3A_526 = arith.constant 0xFF800000 : f32
        %broadcast_in_dim3A_527 = vector.broadcast %broadcast_in_dim3A_526 : f32 to vector<16xf32>
        %broadcast_in_dim3A_528 = arith.constant 0 : i32
        %broadcast_in_dim3A_529 = vector.broadcast %broadcast_in_dim3A_528 : i32 to vector<16xi32>
        %scan3A_530 = arith.constant 0 : i32
        %scan3A_531 = arith.constant 128 : i32
        %scan3A_532 = arith.addi %scan3A_530, %scan3A_531 : i32
        %scan3A_533 = arith.constant 1 : i32
        %scan3A_534:2 = scf.for %scan3A_536 = %scan3A_530 to %scan3A_532 step %scan3A_533 iter_args(%scan3A_537 = %broadcast_in_dim3A_527, %scan3A_538 = %broadcast_in_dim3A_529) -> (vector<16xf32>, vector<16xi32>)  : i32 {
          %mul3A_539 = arith.constant 16 : i32
          %mul3A_540 = arith.muli %scan3A_536, %mul3A_539 : i32
          %get3A_541 = arith.index_cast %mul3A_540 : i32 to index
          %get3A_542 = tpu.vector_load %arg8[%get3A_541] {strides = array<i32>} : memref<2048xf32, #tpu.memory_space<vmem>>, vector<16xf32>,
          %mul3A_543 = arith.constant 16 : i32
          %mul3A_544 = arith.muli %scan3A_536, %mul3A_543 : i32
          %get3A_545 = arith.index_cast %mul3A_544 : i32 to index
          %get3A_546 = tpu.vector_load %arg6[%get3A_545] {strides = array<i32>} : memref<2048xf32, #tpu.memory_space<vmem>>, vector<16xf32>,
          %mul3A_547 = arith.mulf %get3A_40, %get3A_542 : vector<16xf32>
          %add3A_548 = arith.addf %get3A_546, %mul3A_547 : vector<16xf32>
          %mul3A_549 = arith.constant 16 : i32
          %mul3A_550 = arith.muli %scan3A_536, %mul3A_549 : i32
          %add3A_551 = vector.broadcast %mul3A_550 : i32 to vector<16xi32>
          %add3A_552 = arith.addi %add3A_551, %iota3A : vector<16xi32>
          %masked_sort3A_553 = arith.constant dense<true> : vector<16xi1>
          %masked_sort3A_554, %masked_sort3A_555, %masked_sort3A_556 = tpu.sort %add3A_548, %add3A_552 masked %masked_sort3A_553 : (vector<16xf32>, vector<16xi32>, vector<16xi1>) -> (vector<16xi1>, vector<16xf32>, vector<16xi32>)
          %rev3A_557 = arith.constant 15 : i32
          %rev3A_558 = vector.broadcast %rev3A_557 : i32 to vector<16xi32>
          %rev3A_559 = tpu.iota {dimensions = array<i32: 0>} : vector<16xi32>
          %rev3A_560 = arith.subi %rev3A_558, %rev3A_559 : vector<16xi32>
          %rev3A_561 = tpu.dynamic_gather %masked_sort3A_555[%rev3A_560] in [0] : vector<16xf32>, vector<16xi32> -> vector<16xf32>
          %rev3A_562 = arith.constant 15 : i32
          %rev3A_563 = vector.broadcast %rev3A_562 : i32 to vector<16xi32>
          %rev3A_564 = tpu.iota {dimensions = array<i32: 0>} : vector<16xi32>
          %rev3A_565 = arith.subi %rev3A_563, %rev3A_564 : vector<16xi32>
          %rev3A_566 = tpu.dynamic_gather %masked_sort3A_556[%rev3A_565] in [0] : vector<16xi32>, vector<16xi32> -> vector<16xi32>
          %ge3A_567 = arith.cmpf oge, %scan3A_537, %rev3A_561 : vector<16xf32>
          %select_n3A_568 = arith.select %ge3A_567, %scan3A_537, %rev3A_561 : vector<16xi1>, vector<16xf32>
          %select_n3A_569 = arith.select %ge3A_567, %scan3A_538, %rev3A_566 : vector<16xi1>, vector<16xi32>
          %masked_sort3A_570 = arith.constant dense<true> : vector<16xi1>
          %masked_sort3A_571, %masked_sort3A_572, %masked_sort3A_573 = tpu.sort %select_n3A_568, %select_n3A_569 masked %masked_sort3A_570 : (vector<16xf32>, vector<16xi32>, vector<16xi1>) -> (vector<16xi1>, vector<16xf32>, vector<16xi32>)
          scf.yield %masked_sort3A_572, %masked_sort3A_573 : vector<16xf32>, vector<16xi32>
        }
        %scan3A_535 = arith.constant 128 : i32
        scf.yield %scan3A_534#1 : vector<16xi32>
      } else {
        scf.yield %sub3A_268 : vector<16xi32>
      }
      %masked_sort3A_271 = arith.constant dense<true> : vector<16xi1>
      %masked_sort3A_272 = arith.constant -2147483648 : i32
      %masked_sort3A_273 = vector.broadcast %masked_sort3A_272 : i32 to vector<16xi32>
      %masked_sort3A_274 = arith.xori %cond3A_270, %masked_sort3A_273 : vector<16xi32>
      %masked_sort3A_275, %masked_sort3A_276, %masked_sort3A_277 = tpu.sort %masked_sort3A_274, %cond3A_270 masked %masked_sort3A_271 : (vector<16xi32>, vector<16xi32>, vector<16xi1>) -> (vector<16xi1>, vector<16xi32>, vector<16xi32>)
      %masked_sort3A_278 = arith.xori %masked_sort3A_276, %masked_sort3A_273 : vector<16xi32>
      %mul3A_279 = arith.constant 2048 : i32
      %mul3A_280 = vector.broadcast %mul3A_279 : i32 to vector<16xi32>
      %mul3A_281 = arith.muli %iota3A, %mul3A_280 : vector<16xi32>
      %add3A_282 = arith.addi %mul3A_281, %masked_sort3A_278 : vector<16xi32>
      tpu.vector_store_idx %arg10[%add3A_282], %broadcast_in_dim3A_33 {add = true} : memref<32768xf32, #tpu.memory_space<vmem>>[vector<16xi32>], vector<16xf32>,
      %lt3A_283 = arith.constant 24 : i32
      %lt3A_284 = arith.cmpi slt, %scan3A_59, %lt3A_283 : i32
      %convert_element_type3A_285 = arith.extui %lt3A_284 : i1 to i32
      %cond3A_286 = arith.constant 0 : i32
      %cond3A_287 = arith.cmpi ne, %convert_element_type3A_285, %cond3A_286 : i32
      scf.if %cond3A_287 {
        %add3A_526 = arith.constant 2 : i32
        %add3A_527 = arith.addi %add3A_62, %add3A_526 : i32
        %dma_start3A_528 = arith.constant 0 : i32
        %dma_start3A_529 = tpu.memref_slice %arg4[%select_n3A, %add3A_527, %dma_start3A_528] : memref<16x100x2048xf32, #tpu.memory_space<hbm>> -> memref<1x1x2048xf32, #tpu.memory_space<hbm>>
        %dma_start3A_530 = tpu.memref_squeeze %dma_start3A_529 : memref<1x1x2048xf32, #tpu.memory_space<hbm>> -> memref<2048xf32, #tpu.memory_space<hbm>>
        %dma_start3A_531 = arith.constant 0 : i32
        %dma_start3A_532 = tpu.memref_slice %arg4[%select_n3A, %add3A_527, %dma_start3A_531] : memref<16x100x2048xf32, #tpu.memory_space<hbm>> -> memref<1x1x2048xf32, #tpu.memory_space<hbm>>
        %dma_start3A_533 = tpu.memref_squeeze %dma_start3A_532 : memref<1x1x2048xf32, #tpu.memory_space<hbm>> -> memref<2048xf32, #tpu.memory_space<hbm>>
        tpu.enqueue_dma source(%dma_start3A_533 : memref<2048xf32, #tpu.memory_space<hbm>>) target(%arg8 : memref<2048xf32, #tpu.memory_space<vmem>>) target_semaphore(%arg11 : memref<!tpu.dma_semaphore, #tpu.memory_space<semaphore_mem>>)
      } else {
      }
      %add3A_288 = arith.constant 1 : i32
      %add3A_289 = arith.addi %add3A_62, %add3A_288 : i32
      %dma_wait3A_290 = arith.constant 0 : i32
      %dma_wait3A_291 = tpu.memref_slice %arg4[%select_n3A, %add3A_289, %dma_wait3A_290] : memref<16x100x2048xf32, #tpu.memory_space<hbm>> -> memref<1x1x2048xf32, #tpu.memory_space<hbm>>
      %dma_wait3A_292 = tpu.memref_squeeze %dma_wait3A_291 : memref<1x1x2048xf32, #tpu.memory_space<hbm>> -> memref<2048xf32, #tpu.memory_space<hbm>>
      %dma_wait3A_293 = arith.constant 0 : i32
      %dma_wait3A_294 = tpu.memref_slice %arg4[%select_n3A, %add3A_289, %dma_wait3A_293] : memref<16x100x2048xf32, #tpu.memory_space<hbm>> -> memref<1x1x2048xf32, #tpu.memory_space<hbm>>
      %dma_wait3A_295 = tpu.memref_squeeze %dma_wait3A_294 : memref<1x1x2048xf32, #tpu.memory_space<hbm>> -> memref<2048xf32, #tpu.memory_space<hbm>>
      tpu.wait_dma2 semaphore(%arg12 : memref<!tpu.dma_semaphore, #tpu.memory_space<semaphore_mem>>) src(%dma_wait3A_295 : memref<2048xf32, #tpu.memory_space<hbm>>) dst(%arg9 : memref<2048xf32, #tpu.memory_space<vmem>>)
      %scan3A_296 = arith.constant 0 : i32
      %scan3A_297 = arith.constant 128 : i32
      %scan3A_298 = arith.addi %scan3A_296, %scan3A_297 : i32
      %scan3A_299 = arith.constant 1 : i32
      %scan3A_300:9 = scf.for %scan3A_526 = %scan3A_296 to %scan3A_298 step %scan3A_299 iter_args(%scan3A_527 = %broadcast_in_dim3A_35, %scan3A_528 = %broadcast_in_dim3A_35, %scan3A_529 = %broadcast_in_dim3A_35, %scan3A_530 = %broadcast_in_dim3A_35, %scan3A_531 = %broadcast_in_dim3A_35, %scan3A_532 = %broadcast_in_dim3A_35, %scan3A_533 = %broadcast_in_dim3A_35, %scan3A_534 = %broadcast_in_dim3A_35, %scan3A_535 = %broadcast_in_dim3A_35) -> (vector<16xi32>, vector<16xi32>, vector<16xi32>, vector<16xi32>, vector<16xi32>, vector<16xi32>, vector<16xi32>, vector<16xi32>, vector<16xi32>)  : i32 {
        %mul3A_536 = arith.constant 16 : i32
        %mul3A_537 = arith.muli %scan3A_526, %mul3A_536 : i32
        %get3A_538 = arith.index_cast %mul3A_537 : i32 to index
        %get3A_539 = tpu.vector_load %arg9[%get3A_538] {strides = array<i32>} : memref<2048xf32, #tpu.memory_space<vmem>>, vector<16xf32>,
        %mul3A_540 = arith.constant 16 : i32
        %mul3A_541 = arith.muli %scan3A_526, %mul3A_540 : i32
        %get3A_542 = arith.index_cast %mul3A_541 : i32 to index
        %get3A_543 = tpu.vector_load %arg6[%get3A_542] {strides = array<i32>} : memref<2048xf32, #tpu.memory_space<vmem>>, vector<16xf32>,
        %mul3A_544 = arith.mulf %get3A_40, %get3A_539 : vector<16xf32>
        %add3A_545 = arith.addf %get3A_543, %mul3A_544 : vector<16xf32>
        %bitcast_convert_type3A = tpu.bitcast %add3A_545 : vector<16xf32> -> vector<16xi32>
        %shift_right_arithmetic3A_546 = arith.constant 31 : i32
        %shift_right_arithmetic3A_547 = vector.broadcast %shift_right_arithmetic3A_546 : i32 to vector<16xi32>
        %shift_right_arithmetic3A_548 = arith.shrsi %bitcast_convert_type3A, %shift_right_arithmetic3A_547 : vector<16xi32>
        %and3A_549 = arith.constant 2147483647 : i32
        %and3A_550 = vector.broadcast %and3A_549 : i32 to vector<16xi32>
        %and3A_551 = arith.andi %shift_right_arithmetic3A_548, %and3A_550 : vector<16xi32>
        %xor3A = arith.xori %bitcast_convert_type3A, %and3A_551 : vector<16xi32>
        %mul3A_552 = arith.constant 16 : i32
        %mul3A_553 = arith.muli %scan3A_526, %mul3A_552 : i32
        %sub3A_554 = arith.constant 2047 : i32
        %sub3A_555 = arith.subi %sub3A_554, %mul3A_553 : i32
        %sub3A_556 = vector.broadcast %sub3A_555 : i32 to vector<16xi32>
        %sub3A_557 = arith.subi %sub3A_556, %iota3A : vector<16xi32>
        %and3A_558 = arith.constant -2048 : i32
        %and3A_559 = vector.broadcast %and3A_558 : i32 to vector<16xi32>
        %and3A_560 = arith.andi %xor3A, %and3A_559 : vector<16xi32>
        %or3A = arith.ori %and3A_560, %sub3A_557 : vector<16xi32>
        %max3A_561 = arith.maxsi %scan3A_527, %or3A : vector<16xi32>
        %min3A_562 = arith.minsi %scan3A_527, %or3A : vector<16xi32>
        %max3A_563 = arith.maxsi %scan3A_528, %min3A_562 : vector<16xi32>
        %min3A_564 = arith.minsi %scan3A_528, %min3A_562 : vector<16xi32>
        %max3A_565 = arith.maxsi %scan3A_529, %min3A_564 : vector<16xi32>
        %min3A_566 = arith.minsi %scan3A_529, %min3A_564 : vector<16xi32>
        %max3A_567 = arith.maxsi %scan3A_530, %min3A_566 : vector<16xi32>
        %min3A_568 = arith.minsi %scan3A_530, %min3A_566 : vector<16xi32>
        %max3A_569 = arith.maxsi %scan3A_531, %min3A_568 : vector<16xi32>
        %min3A_570 = arith.minsi %scan3A_531, %min3A_568 : vector<16xi32>
        %max3A_571 = arith.maxsi %scan3A_532, %min3A_570 : vector<16xi32>
        %min3A_572 = arith.minsi %scan3A_532, %min3A_570 : vector<16xi32>
        %max3A_573 = arith.maxsi %scan3A_533, %min3A_572 : vector<16xi32>
        %min3A_574 = arith.minsi %scan3A_533, %min3A_572 : vector<16xi32>
        %max3A_575 = arith.maxsi %scan3A_534, %min3A_574 : vector<16xi32>
        %min3A_576 = arith.minsi %scan3A_534, %min3A_574 : vector<16xi32>
        %max3A_577 = arith.maxsi %scan3A_535, %min3A_576 : vector<16xi32>
        scf.yield %max3A_561, %max3A_563, %max3A_565, %max3A_567, %max3A_569, %max3A_571, %max3A_573, %max3A_575, %max3A_577 : vector<16xi32>, vector<16xi32>, vector<16xi32>, vector<16xi32>, vector<16xi32>, vector<16xi32>, vector<16xi32>, vector<16xi32>, vector<16xi32>
      }
      %scan3A_301 = arith.constant 128 : i32
      %masked_sort3A_302 = arith.constant dense<true> : vector<16xi1>
      %masked_sort3A_303 = arith.constant -2147483648 : i32
      %masked_sort3A_304 = vector.broadcast %masked_sort3A_303 : i32 to vector<16xi32>
      %masked_sort3A_305 = arith.xori %scan3A_300#0, %masked_sort3A_304 : vector<16xi32>
      %masked_sort3A_306, %masked_sort3A_307, %masked_sort3A_308 = tpu.sort %masked_sort3A_305, %scan3A_300#0 masked %masked_sort3A_302 : (vector<16xi32>, vector<16xi32>, vector<16xi1>) -> (vector<16xi1>, vector<16xi32>, vector<16xi32>)
      %masked_sort3A_309 = arith.xori %masked_sort3A_307, %masked_sort3A_304 : vector<16xi32>
      %masked_sort3A_310 = arith.constant dense<true> : vector<16xi1>
      %masked_sort3A_311 = arith.constant -2147483648 : i32
      %masked_sort3A_312 = vector.broadcast %masked_sort3A_311 : i32 to vector<16xi32>
      %masked_sort3A_313 = arith.xori %scan3A_300#1, %masked_sort3A_312 : vector<16xi32>
      %masked_sort3A_314, %masked_sort3A_315, %masked_sort3A_316 = tpu.sort %masked_sort3A_313, %scan3A_300#1 masked %masked_sort3A_310 : (vector<16xi32>, vector<16xi32>, vector<16xi1>) -> (vector<16xi1>, vector<16xi32>, vector<16xi32>)
      %masked_sort3A_317 = arith.xori %masked_sort3A_315, %masked_sort3A_312 : vector<16xi32>
      %rev3A_318 = arith.constant 15 : i32
      %rev3A_319 = vector.broadcast %rev3A_318 : i32 to vector<16xi32>
      %rev3A_320 = tpu.iota {dimensions = array<i32: 0>} : vector<16xi32>
      %rev3A_321 = arith.subi %rev3A_319, %rev3A_320 : vector<16xi32>
      %rev3A_322 = tpu.dynamic_gather %masked_sort3A_317[%rev3A_321] in [0] : vector<16xi32>, vector<16xi32> -> vector<16xi32>
      %max3A_323 = arith.maxsi %masked_sort3A_309, %rev3A_322 : vector<16xi32>
      %min3A_324 = arith.minsi %masked_sort3A_309, %rev3A_322 : vector<16xi32>
      %max3A_325 = arith.maxsi %scan3A_300#8, %min3A_324 : vector<16xi32>
      %masked_sort3A_326 = arith.constant dense<true> : vector<16xi1>
      %masked_sort3A_327 = arith.constant -2147483648 : i32
      %masked_sort3A_328 = vector.broadcast %masked_sort3A_327 : i32 to vector<16xi32>
      %masked_sort3A_329 = arith.xori %max3A_323, %masked_sort3A_328 : vector<16xi32>
      %masked_sort3A_330, %masked_sort3A_331, %masked_sort3A_332 = tpu.sort %masked_sort3A_329, %max3A_323 masked %masked_sort3A_326 : (vector<16xi32>, vector<16xi32>, vector<16xi1>) -> (vector<16xi1>, vector<16xi32>, vector<16xi32>)
      %masked_sort3A_333 = arith.xori %masked_sort3A_331, %masked_sort3A_328 : vector<16xi32>
      %masked_sort3A_334 = arith.constant dense<true> : vector<16xi1>
      %masked_sort3A_335 = arith.constant -2147483648 : i32
      %masked_sort3A_336 = vector.broadcast %masked_sort3A_335 : i32 to vector<16xi32>
      %masked_sort3A_337 = arith.xori %scan3A_300#2, %masked_sort3A_336 : vector<16xi32>
      %masked_sort3A_338, %masked_sort3A_339, %masked_sort3A_340 = tpu.sort %masked_sort3A_337, %scan3A_300#2 masked %masked_sort3A_334 : (vector<16xi32>, vector<16xi32>, vector<16xi1>) -> (vector<16xi1>, vector<16xi32>, vector<16xi32>)
      %masked_sort3A_341 = arith.xori %masked_sort3A_339, %masked_sort3A_336 : vector<16xi32>
      %rev3A_342 = arith.constant 15 : i32
      %rev3A_343 = vector.broadcast %rev3A_342 : i32 to vector<16xi32>
      %rev3A_344 = tpu.iota {dimensions = array<i32: 0>} : vector<16xi32>
      %rev3A_345 = arith.subi %rev3A_343, %rev3A_344 : vector<16xi32>
      %rev3A_346 = tpu.dynamic_gather %masked_sort3A_341[%rev3A_345] in [0] : vector<16xi32>, vector<16xi32> -> vector<16xi32>
      %max3A_347 = arith.maxsi %masked_sort3A_333, %rev3A_346 : vector<16xi32>
      %min3A_348 = arith.minsi %masked_sort3A_333, %rev3A_346 : vector<16xi32>
      %max3A_349 = arith.maxsi %max3A_325, %min3A_348 : vector<16xi32>
      %masked_sort3A_350 = arith.constant dense<true> : vector<16xi1>
      %masked_sort3A_351 = arith.constant -2147483648 : i32
      %masked_sort3A_352 = vector.broadcast %masked_sort3A_351 : i32 to vector<16xi32>
      %masked_sort3A_353 = arith.xori %max3A_347, %masked_sort3A_352 : vector<16xi32>
      %masked_sort3A_354, %masked_sort3A_355, %masked_sort3A_356 = tpu.sort %masked_sort3A_353, %max3A_347 masked %masked_sort3A_350 : (vector<16xi32>, vector<16xi32>, vector<16xi1>) -> (vector<16xi1>, vector<16xi32>, vector<16xi32>)
      %masked_sort3A_357 = arith.xori %masked_sort3A_355, %masked_sort3A_352 : vector<16xi32>
      %masked_sort3A_358 = arith.constant dense<true> : vector<16xi1>
      %masked_sort3A_359 = arith.constant -2147483648 : i32
      %masked_sort3A_360 = vector.broadcast %masked_sort3A_359 : i32 to vector<16xi32>
      %masked_sort3A_361 = arith.xori %scan3A_300#3, %masked_sort3A_360 : vector<16xi32>
      %masked_sort3A_362, %masked_sort3A_363, %masked_sort3A_364 = tpu.sort %masked_sort3A_361, %scan3A_300#3 masked %masked_sort3A_358 : (vector<16xi32>, vector<16xi32>, vector<16xi1>) -> (vector<16xi1>, vector<16xi32>, vector<16xi32>)
      %masked_sort3A_365 = arith.xori %masked_sort3A_363, %masked_sort3A_360 : vector<16xi32>
      %rev3A_366 = arith.constant 15 : i32
      %rev3A_367 = vector.broadcast %rev3A_366 : i32 to vector<16xi32>
      %rev3A_368 = tpu.iota {dimensions = array<i32: 0>} : vector<16xi32>
      %rev3A_369 = arith.subi %rev3A_367, %rev3A_368 : vector<16xi32>
      %rev3A_370 = tpu.dynamic_gather %masked_sort3A_365[%rev3A_369] in [0] : vector<16xi32>, vector<16xi32> -> vector<16xi32>
      %max3A_371 = arith.maxsi %masked_sort3A_357, %rev3A_370 : vector<16xi32>
      %min3A_372 = arith.minsi %masked_sort3A_357, %rev3A_370 : vector<16xi32>
      %max3A_373 = arith.maxsi %max3A_349, %min3A_372 : vector<16xi32>
      %masked_sort3A_374 = arith.constant dense<true> : vector<16xi1>
      %masked_sort3A_375 = arith.constant -2147483648 : i32
      %masked_sort3A_376 = vector.broadcast %masked_sort3A_375 : i32 to vector<16xi32>
      %masked_sort3A_377 = arith.xori %max3A_371, %masked_sort3A_376 : vector<16xi32>
      %masked_sort3A_378, %masked_sort3A_379, %masked_sort3A_380 = tpu.sort %masked_sort3A_377, %max3A_371 masked %masked_sort3A_374 : (vector<16xi32>, vector<16xi32>, vector<16xi1>) -> (vector<16xi1>, vector<16xi32>, vector<16xi32>)
      %masked_sort3A_381 = arith.xori %masked_sort3A_379, %masked_sort3A_376 : vector<16xi32>
      %masked_sort3A_382 = arith.constant dense<true> : vector<16xi1>
      %masked_sort3A_383 = arith.constant -2147483648 : i32
      %masked_sort3A_384 = vector.broadcast %masked_sort3A_383 : i32 to vector<16xi32>
      %masked_sort3A_385 = arith.xori %scan3A_300#4, %masked_sort3A_384 : vector<16xi32>
      %masked_sort3A_386, %masked_sort3A_387, %masked_sort3A_388 = tpu.sort %masked_sort3A_385, %scan3A_300#4 masked %masked_sort3A_382 : (vector<16xi32>, vector<16xi32>, vector<16xi1>) -> (vector<16xi1>, vector<16xi32>, vector<16xi32>)
      %masked_sort3A_389 = arith.xori %masked_sort3A_387, %masked_sort3A_384 : vector<16xi32>
      %rev3A_390 = arith.constant 15 : i32
      %rev3A_391 = vector.broadcast %rev3A_390 : i32 to vector<16xi32>
      %rev3A_392 = tpu.iota {dimensions = array<i32: 0>} : vector<16xi32>
      %rev3A_393 = arith.subi %rev3A_391, %rev3A_392 : vector<16xi32>
      %rev3A_394 = tpu.dynamic_gather %masked_sort3A_389[%rev3A_393] in [0] : vector<16xi32>, vector<16xi32> -> vector<16xi32>
      %max3A_395 = arith.maxsi %masked_sort3A_381, %rev3A_394 : vector<16xi32>
      %min3A_396 = arith.minsi %masked_sort3A_381, %rev3A_394 : vector<16xi32>
      %max3A_397 = arith.maxsi %max3A_373, %min3A_396 : vector<16xi32>
      %masked_sort3A_398 = arith.constant dense<true> : vector<16xi1>
      %masked_sort3A_399 = arith.constant -2147483648 : i32
      %masked_sort3A_400 = vector.broadcast %masked_sort3A_399 : i32 to vector<16xi32>
      %masked_sort3A_401 = arith.xori %max3A_395, %masked_sort3A_400 : vector<16xi32>
      %masked_sort3A_402, %masked_sort3A_403, %masked_sort3A_404 = tpu.sort %masked_sort3A_401, %max3A_395 masked %masked_sort3A_398 : (vector<16xi32>, vector<16xi32>, vector<16xi1>) -> (vector<16xi1>, vector<16xi32>, vector<16xi32>)
      %masked_sort3A_405 = arith.xori %masked_sort3A_403, %masked_sort3A_400 : vector<16xi32>
      %masked_sort3A_406 = arith.constant dense<true> : vector<16xi1>
      %masked_sort3A_407 = arith.constant -2147483648 : i32
      %masked_sort3A_408 = vector.broadcast %masked_sort3A_407 : i32 to vector<16xi32>
      %masked_sort3A_409 = arith.xori %scan3A_300#5, %masked_sort3A_408 : vector<16xi32>
      %masked_sort3A_410, %masked_sort3A_411, %masked_sort3A_412 = tpu.sort %masked_sort3A_409, %scan3A_300#5 masked %masked_sort3A_406 : (vector<16xi32>, vector<16xi32>, vector<16xi1>) -> (vector<16xi1>, vector<16xi32>, vector<16xi32>)
      %masked_sort3A_413 = arith.xori %masked_sort3A_411, %masked_sort3A_408 : vector<16xi32>
      %rev3A_414 = arith.constant 15 : i32
      %rev3A_415 = vector.broadcast %rev3A_414 : i32 to vector<16xi32>
      %rev3A_416 = tpu.iota {dimensions = array<i32: 0>} : vector<16xi32>
      %rev3A_417 = arith.subi %rev3A_415, %rev3A_416 : vector<16xi32>
      %rev3A_418 = tpu.dynamic_gather %masked_sort3A_413[%rev3A_417] in [0] : vector<16xi32>, vector<16xi32> -> vector<16xi32>
      %max3A_419 = arith.maxsi %masked_sort3A_405, %rev3A_418 : vector<16xi32>
      %min3A_420 = arith.minsi %masked_sort3A_405, %rev3A_418 : vector<16xi32>
      %max3A_421 = arith.maxsi %max3A_397, %min3A_420 : vector<16xi32>
      %masked_sort3A_422 = arith.constant dense<true> : vector<16xi1>
      %masked_sort3A_423 = arith.constant -2147483648 : i32
      %masked_sort3A_424 = vector.broadcast %masked_sort3A_423 : i32 to vector<16xi32>
      %masked_sort3A_425 = arith.xori %max3A_419, %masked_sort3A_424 : vector<16xi32>
      %masked_sort3A_426, %masked_sort3A_427, %masked_sort3A_428 = tpu.sort %masked_sort3A_425, %max3A_419 masked %masked_sort3A_422 : (vector<16xi32>, vector<16xi32>, vector<16xi1>) -> (vector<16xi1>, vector<16xi32>, vector<16xi32>)
      %masked_sort3A_429 = arith.xori %masked_sort3A_427, %masked_sort3A_424 : vector<16xi32>
      %masked_sort3A_430 = arith.constant dense<true> : vector<16xi1>
      %masked_sort3A_431 = arith.constant -2147483648 : i32
      %masked_sort3A_432 = vector.broadcast %masked_sort3A_431 : i32 to vector<16xi32>
      %masked_sort3A_433 = arith.xori %scan3A_300#6, %masked_sort3A_432 : vector<16xi32>
      %masked_sort3A_434, %masked_sort3A_435, %masked_sort3A_436 = tpu.sort %masked_sort3A_433, %scan3A_300#6 masked %masked_sort3A_430 : (vector<16xi32>, vector<16xi32>, vector<16xi1>) -> (vector<16xi1>, vector<16xi32>, vector<16xi32>)
      %masked_sort3A_437 = arith.xori %masked_sort3A_435, %masked_sort3A_432 : vector<16xi32>
      %rev3A_438 = arith.constant 15 : i32
      %rev3A_439 = vector.broadcast %rev3A_438 : i32 to vector<16xi32>
      %rev3A_440 = tpu.iota {dimensions = array<i32: 0>} : vector<16xi32>
      %rev3A_441 = arith.subi %rev3A_439, %rev3A_440 : vector<16xi32>
      %rev3A_442 = tpu.dynamic_gather %masked_sort3A_437[%rev3A_441] in [0] : vector<16xi32>, vector<16xi32> -> vector<16xi32>
      %max3A_443 = arith.maxsi %masked_sort3A_429, %rev3A_442 : vector<16xi32>
      %min3A_444 = arith.minsi %masked_sort3A_429, %rev3A_442 : vector<16xi32>
      %max3A_445 = arith.maxsi %max3A_421, %min3A_444 : vector<16xi32>
      %masked_sort3A_446 = arith.constant dense<true> : vector<16xi1>
      %masked_sort3A_447 = arith.constant -2147483648 : i32
      %masked_sort3A_448 = vector.broadcast %masked_sort3A_447 : i32 to vector<16xi32>
      %masked_sort3A_449 = arith.xori %max3A_443, %masked_sort3A_448 : vector<16xi32>
      %masked_sort3A_450, %masked_sort3A_451, %masked_sort3A_452 = tpu.sort %masked_sort3A_449, %max3A_443 masked %masked_sort3A_446 : (vector<16xi32>, vector<16xi32>, vector<16xi1>) -> (vector<16xi1>, vector<16xi32>, vector<16xi32>)
      %masked_sort3A_453 = arith.xori %masked_sort3A_451, %masked_sort3A_448 : vector<16xi32>
      %masked_sort3A_454 = arith.constant dense<true> : vector<16xi1>
      %masked_sort3A_455 = arith.constant -2147483648 : i32
      %masked_sort3A_456 = vector.broadcast %masked_sort3A_455 : i32 to vector<16xi32>
      %masked_sort3A_457 = arith.xori %scan3A_300#7, %masked_sort3A_456 : vector<16xi32>
      %masked_sort3A_458, %masked_sort3A_459, %masked_sort3A_460 = tpu.sort %masked_sort3A_457, %scan3A_300#7 masked %masked_sort3A_454 : (vector<16xi32>, vector<16xi32>, vector<16xi1>) -> (vector<16xi1>, vector<16xi32>, vector<16xi32>)
      %masked_sort3A_461 = arith.xori %masked_sort3A_459, %masked_sort3A_456 : vector<16xi32>
      %rev3A_462 = arith.constant 15 : i32
      %rev3A_463 = vector.broadcast %rev3A_462 : i32 to vector<16xi32>
      %rev3A_464 = tpu.iota {dimensions = array<i32: 0>} : vector<16xi32>
      %rev3A_465 = arith.subi %rev3A_463, %rev3A_464 : vector<16xi32>
      %rev3A_466 = tpu.dynamic_gather %masked_sort3A_461[%rev3A_465] in [0] : vector<16xi32>, vector<16xi32> -> vector<16xi32>
      %max3A_467 = arith.maxsi %masked_sort3A_453, %rev3A_466 : vector<16xi32>
      %min3A_468 = arith.minsi %masked_sort3A_453, %rev3A_466 : vector<16xi32>
      %max3A_469 = arith.maxsi %max3A_445, %min3A_468 : vector<16xi32>
      %masked_sort3A_470 = arith.constant dense<true> : vector<16xi1>
      %masked_sort3A_471 = arith.constant -2147483648 : i32
      %masked_sort3A_472 = vector.broadcast %masked_sort3A_471 : i32 to vector<16xi32>
      %masked_sort3A_473 = arith.xori %max3A_467, %masked_sort3A_472 : vector<16xi32>
      %masked_sort3A_474, %masked_sort3A_475, %masked_sort3A_476 = tpu.sort %masked_sort3A_473, %max3A_467 masked %masked_sort3A_470 : (vector<16xi32>, vector<16xi32>, vector<16xi1>) -> (vector<16xi1>, vector<16xi32>, vector<16xi32>)
      %masked_sort3A_477 = arith.xori %masked_sort3A_475, %masked_sort3A_472 : vector<16xi32>
      %reduce_max3A_478 = arith.constant true
      %reduce_max3A_479 = vector.broadcast %reduce_max3A_478 : i1 to vector<16xi1>
      %reduce_max3A_480 = arith.constant -2147483648 : i32
      %reduce_max3A_481 = vector.broadcast %reduce_max3A_480 : i32 to vector<16xi32>
      %reduce_max3A_482 = arith.xori %max3A_469, %reduce_max3A_481 : vector<16xi32>
      %reduce_max3A_483 = tpu.scan <max>, %reduce_max3A_482 masked %reduce_max3A_479 : vector<16xi32>, vector<16xi1> -> vector<16xi32>
      %reduce_max3A_484 = arith.xori %reduce_max3A_483, %reduce_max3A_481 : vector<16xi32>
      %reduce_max3A_485 = vector.extract %reduce_max3A_484[15] : i32 from vector<16xi32>
      %reduce_min3A_486 = arith.constant true
      %reduce_min3A_487 = vector.broadcast %reduce_min3A_486 : i1 to vector<16xi1>
      %reduce_min3A_488 = arith.constant -2147483648 : i32
      %reduce_min3A_489 = vector.broadcast %reduce_min3A_488 : i32 to vector<16xi32>
      %reduce_min3A_490 = arith.xori %masked_sort3A_477, %reduce_min3A_489 : vector<16xi32>
      %reduce_min3A_491 = tpu.scan <min>, %reduce_min3A_490 masked %reduce_min3A_487 : vector<16xi32>, vector<16xi1> -> vector<16xi32>
      %reduce_min3A_492 = arith.xori %reduce_min3A_491, %reduce_min3A_489 : vector<16xi32>
      %reduce_min3A_493 = vector.extract %reduce_min3A_492[15] : i32 from vector<16xi32>
      %shift_right_arithmetic3A_494 = arith.constant 11 : i32
      %shift_right_arithmetic3A_495 = arith.shrsi %reduce_max3A_485, %shift_right_arithmetic3A_494 : i32
      %shift_right_arithmetic3A_496 = arith.constant 11 : i32
      %shift_right_arithmetic3A_497 = arith.shrsi %reduce_min3A_493, %shift_right_arithmetic3A_496 : i32
      %ge3A_498 = arith.cmpi sge, %shift_right_arithmetic3A_495, %shift_right_arithmetic3A_497 : i32
      %and3A_499 = arith.constant 2047 : i32
      %and3A_500 = vector.broadcast %and3A_499 : i32 to vector<16xi32>
      %and3A_501 = arith.andi %masked_sort3A_477, %and3A_500 : vector<16xi32>
      %sub3A_502 = arith.constant 2047 : i32
      %sub3A_503 = vector.broadcast %sub3A_502 : i32 to vector<16xi32>
      %sub3A_504 = arith.subi %sub3A_503, %and3A_501 : vector<16xi32>
      %convert_element_type3A_505 = arith.extui %ge3A_498 : i1 to i32
      %cond3A_506 = arith.constant 0 : i32
      %cond3A_507 = arith.cmpi ne, %convert_element_type3A_505, %cond3A_506 : i32
      %cond3A_508 = scf.if %cond3A_507 -> (vector<16xi32>) {
        %broadcast_in_dim3A_526 = arith.constant 0xFF800000 : f32
        %broadcast_in_dim3A_527 = vector.broadcast %broadcast_in_dim3A_526 : f32 to vector<16xf32>
        %broadcast_in_dim3A_528 = arith.constant 0 : i32
        %broadcast_in_dim3A_529 = vector.broadcast %broadcast_in_dim3A_528 : i32 to vector<16xi32>
        %scan3A_530 = arith.constant 0 : i32
        %scan3A_531 = arith.constant 128 : i32
        %scan3A_532 = arith.addi %scan3A_530, %scan3A_531 : i32
        %scan3A_533 = arith.constant 1 : i32
        %scan3A_534:2 = scf.for %scan3A_536 = %scan3A_530 to %scan3A_532 step %scan3A_533 iter_args(%scan3A_537 = %broadcast_in_dim3A_527, %scan3A_538 = %broadcast_in_dim3A_529) -> (vector<16xf32>, vector<16xi32>)  : i32 {
          %mul3A_539 = arith.constant 16 : i32
          %mul3A_540 = arith.muli %scan3A_536, %mul3A_539 : i32
          %get3A_541 = arith.index_cast %mul3A_540 : i32 to index
          %get3A_542 = tpu.vector_load %arg9[%get3A_541] {strides = array<i32>} : memref<2048xf32, #tpu.memory_space<vmem>>, vector<16xf32>,
          %mul3A_543 = arith.constant 16 : i32
          %mul3A_544 = arith.muli %scan3A_536, %mul3A_543 : i32
          %get3A_545 = arith.index_cast %mul3A_544 : i32 to index
          %get3A_546 = tpu.vector_load %arg6[%get3A_545] {strides = array<i32>} : memref<2048xf32, #tpu.memory_space<vmem>>, vector<16xf32>,
          %mul3A_547 = arith.mulf %get3A_40, %get3A_542 : vector<16xf32>
          %add3A_548 = arith.addf %get3A_546, %mul3A_547 : vector<16xf32>
          %mul3A_549 = arith.constant 16 : i32
          %mul3A_550 = arith.muli %scan3A_536, %mul3A_549 : i32
          %add3A_551 = vector.broadcast %mul3A_550 : i32 to vector<16xi32>
          %add3A_552 = arith.addi %add3A_551, %iota3A : vector<16xi32>
          %masked_sort3A_553 = arith.constant dense<true> : vector<16xi1>
          %masked_sort3A_554, %masked_sort3A_555, %masked_sort3A_556 = tpu.sort %add3A_548, %add3A_552 masked %masked_sort3A_553 : (vector<16xf32>, vector<16xi32>, vector<16xi1>) -> (vector<16xi1>, vector<16xf32>, vector<16xi32>)
          %rev3A_557 = arith.constant 15 : i32
          %rev3A_558 = vector.broadcast %rev3A_557 : i32 to vector<16xi32>
          %rev3A_559 = tpu.iota {dimensions = array<i32: 0>} : vector<16xi32>
          %rev3A_560 = arith.subi %rev3A_558, %rev3A_559 : vector<16xi32>
          %rev3A_561 = tpu.dynamic_gather %masked_sort3A_555[%rev3A_560] in [0] : vector<16xf32>, vector<16xi32> -> vector<16xf32>
          %rev3A_562 = arith.constant 15 : i32
          %rev3A_563 = vector.broadcast %rev3A_562 : i32 to vector<16xi32>
          %rev3A_564 = tpu.iota {dimensions = array<i32: 0>} : vector<16xi32>
          %rev3A_565 = arith.subi %rev3A_563, %rev3A_564 : vector<16xi32>
          %rev3A_566 = tpu.dynamic_gather %masked_sort3A_556[%rev3A_565] in [0] : vector<16xi32>, vector<16xi32> -> vector<16xi32>
          %ge3A_567 = arith.cmpf oge, %scan3A_537, %rev3A_561 : vector<16xf32>
          %select_n3A_568 = arith.select %ge3A_567, %scan3A_537, %rev3A_561 : vector<16xi1>, vector<16xf32>
          %select_n3A_569 = arith.select %ge3A_567, %scan3A_538, %rev3A_566 : vector<16xi1>, vector<16xi32>
          %masked_sort3A_570 = arith.constant dense<true> : vector<16xi1>
          %masked_sort3A_571, %masked_sort3A_572, %masked_sort3A_573 = tpu.sort %select_n3A_568, %select_n3A_569 masked %masked_sort3A_570 : (vector<16xf32>, vector<16xi32>, vector<16xi1>) -> (vector<16xi1>, vector<16xf32>, vector<16xi32>)
          scf.yield %masked_sort3A_572, %masked_sort3A_573 : vector<16xf32>, vector<16xi32>
        }
        %scan3A_535 = arith.constant 128 : i32
        scf.yield %scan3A_534#1 : vector<16xi32>
      } else {
        scf.yield %sub3A_504 : vector<16xi32>
      }
      %masked_sort3A_509 = arith.constant dense<true> : vector<16xi1>
      %masked_sort3A_510 = arith.constant -2147483648 : i32
      %masked_sort3A_511 = vector.broadcast %masked_sort3A_510 : i32 to vector<16xi32>
      %masked_sort3A_512 = arith.xori %cond3A_508, %masked_sort3A_511 : vector<16xi32>
      %masked_sort3A_513, %masked_sort3A_514, %masked_sort3A_515 = tpu.sort %masked_sort3A_512, %cond3A_508 masked %masked_sort3A_509 : (vector<16xi32>, vector<16xi32>, vector<16xi1>) -> (vector<16xi1>, vector<16xi32>, vector<16xi32>)
      %masked_sort3A_516 = arith.xori %masked_sort3A_514, %masked_sort3A_511 : vector<16xi32>
      %mul3A_517 = arith.constant 2048 : i32
      %mul3A_518 = vector.broadcast %mul3A_517 : i32 to vector<16xi32>
      %mul3A_519 = arith.muli %iota3A, %mul3A_518 : vector<16xi32>
      %add3A_520 = arith.addi %mul3A_519, %masked_sort3A_516 : vector<16xi32>
      tpu.vector_store_idx %arg10[%add3A_520], %broadcast_in_dim3A_33 {add = true} : memref<32768xf32, #tpu.memory_space<vmem>>[vector<16xi32>], vector<16xf32>,
      %lt3A_521 = arith.constant 24 : i32
      %lt3A_522 = arith.cmpi slt, %scan3A_59, %lt3A_521 : i32
      %convert_element_type3A_523 = arith.extui %lt3A_522 : i1 to i32
      %cond3A_524 = arith.constant 0 : i32
      %cond3A_525 = arith.cmpi ne, %convert_element_type3A_523, %cond3A_524 : i32
      scf.if %cond3A_525 {
        %add3A_526 = arith.constant 3 : i32
        %add3A_527 = arith.addi %add3A_62, %add3A_526 : i32
        %dma_start3A_528 = arith.constant 0 : i32
        %dma_start3A_529 = tpu.memref_slice %arg4[%select_n3A, %add3A_527, %dma_start3A_528] : memref<16x100x2048xf32, #tpu.memory_space<hbm>> -> memref<1x1x2048xf32, #tpu.memory_space<hbm>>
        %dma_start3A_530 = tpu.memref_squeeze %dma_start3A_529 : memref<1x1x2048xf32, #tpu.memory_space<hbm>> -> memref<2048xf32, #tpu.memory_space<hbm>>
        %dma_start3A_531 = arith.constant 0 : i32
        %dma_start3A_532 = tpu.memref_slice %arg4[%select_n3A, %add3A_527, %dma_start3A_531] : memref<16x100x2048xf32, #tpu.memory_space<hbm>> -> memref<1x1x2048xf32, #tpu.memory_space<hbm>>
        %dma_start3A_533 = tpu.memref_squeeze %dma_start3A_532 : memref<1x1x2048xf32, #tpu.memory_space<hbm>> -> memref<2048xf32, #tpu.memory_space<hbm>>
        tpu.enqueue_dma source(%dma_start3A_533 : memref<2048xf32, #tpu.memory_space<hbm>>) target(%arg9 : memref<2048xf32, #tpu.memory_space<vmem>>) target_semaphore(%arg12 : memref<!tpu.dma_semaphore, #tpu.memory_space<semaphore_mem>>)
      } else {
      }
    }
    %scan3A_58 = arith.constant 25 : i32
    "tpu.region"() ({
      %run_scoped3A = tpu.sem_alloc : memref<!tpu.dma_semaphore, #tpu.memory_space<semaphore_mem>>
      %dma_start3A_59 = arith.constant 0 : i32
      %dma_start3A_60 = tpu.memref_slice %arg5[%add3A, %dma_start3A_59] : memref<32x32768xf32, #tpu.memory_space<hbm>> -> memref<1x32768xf32, #tpu.memory_space<hbm>>
      %dma_start3A_61 = tpu.memref_squeeze %dma_start3A_60 : memref<1x32768xf32, #tpu.memory_space<hbm>> -> memref<32768xf32, #tpu.memory_space<hbm>>
      %dma_start3A_62 = arith.constant 0 : i32
      %dma_start3A_63 = tpu.memref_slice %arg5[%add3A, %dma_start3A_62] : memref<32x32768xf32, #tpu.memory_space<hbm>> -> memref<1x32768xf32, #tpu.memory_space<hbm>>
      %dma_start3A_64 = tpu.memref_squeeze %dma_start3A_63 : memref<1x32768xf32, #tpu.memory_space<hbm>> -> memref<32768xf32, #tpu.memory_space<hbm>>
      tpu.enqueue_dma source(%arg10 : memref<32768xf32, #tpu.memory_space<vmem>>) target(%dma_start3A_64 : memref<32768xf32, #tpu.memory_space<hbm>>) target_semaphore(%run_scoped3A : memref<!tpu.dma_semaphore, #tpu.memory_space<semaphore_mem>>)
      %dma_wait3A = arith.constant 0 : i32
      %dma_wait3A_65 = tpu.memref_slice %arg5[%add3A, %dma_wait3A] : memref<32x32768xf32, #tpu.memory_space<hbm>> -> memref<1x32768xf32, #tpu.memory_space<hbm>>
      %dma_wait3A_66 = tpu.memref_squeeze %dma_wait3A_65 : memref<1x32768xf32, #tpu.memory_space<hbm>> -> memref<32768xf32, #tpu.memory_space<hbm>>
      %dma_wait3A_67 = arith.constant 0 : i32
      %dma_wait3A_68 = tpu.memref_slice %arg5[%add3A, %dma_wait3A_67] : memref<32x32768xf32, #tpu.memory_space<hbm>> -> memref<1x32768xf32, #tpu.memory_space<hbm>>
      %dma_wait3A_69 = tpu.memref_squeeze %dma_wait3A_68 : memref<1x32768xf32, #tpu.memory_space<hbm>> -> memref<32768xf32, #tpu.memory_space<hbm>>
      tpu.wait_dma2 semaphore(%run_scoped3A : memref<!tpu.dma_semaphore, #tpu.memory_space<semaphore_mem>>) src(%arg10 : memref<32768xf32, #tpu.memory_space<vmem>>) dst(%dma_wait3A_69 : memref<32768xf32, #tpu.memory_space<hbm>>)
      tpu.yield
    }) : () -> ()
    return
  }
}

module attributes {stable_mosaic.version = 14 : i64} {
  func.func @_sum_body(%arg0: i32, %arg1: memref<1x2x32768xf32, #tpu.memory_space<vmem>>, %arg2: memref<1x1x32768xf32, #tpu.memory_space<vmem>>) attributes {dimension_semantics = [#tpu.dimension_semantics<arbitrary>], iteration_bounds = array<i64: 16>, scalar_prefetch = 0 : i64, scratch_operands = 0 : i64, tpu.core_type = #tpu.core_type<tc>, window_params = [{transform_indices = @transform_0, window_bounds = array<i64: 1, 2, 32768>}, {transform_indices = @transform_1, window_bounds = array<i64: 1, 1, 32768>}]} {
    %get3A = arith.constant 0 : index
    %get3A_0 = arith.constant 0 : index
    %get3A_1 = arith.constant 0 : index
    %get3A_2 = vector.load %arg1[%get3A, %get3A_0, %get3A_1] : memref<1x2x32768xf32, #tpu.memory_space<vmem>>, vector<1x1x32768xf32>
    %get3A_3 = vector.shape_cast %get3A_2 : vector<1x1x32768xf32> to vector<32768xf32>
    %get3A_4 = arith.constant 0 : index
    %get3A_5 = arith.constant 1 : index
    %get3A_6 = arith.constant 0 : index
    %get3A_7 = vector.load %arg1[%get3A_4, %get3A_5, %get3A_6] : memref<1x2x32768xf32, #tpu.memory_space<vmem>>, vector<1x1x32768xf32>
    %get3A_8 = vector.shape_cast %get3A_7 : vector<1x1x32768xf32> to vector<32768xf32>
    %add3A = arith.addf %get3A_3, %get3A_8 : vector<32768xf32>
    %swap3A = arith.constant 0 : index
    %swap3A_9 = arith.constant 0 : index
    %swap3A_10 = arith.constant 0 : index
    %swap3A_11 = vector.load %arg2[%swap3A, %swap3A_9, %swap3A_10] : memref<1x1x32768xf32, #tpu.memory_space<vmem>>, vector<1x1x32768xf32>
    %swap3A_12 = vector.shape_cast %swap3A_11 : vector<1x1x32768xf32> to vector<32768xf32>
    %swap3A_13 = vector.shape_cast %add3A : vector<32768xf32> to vector<1x1x32768xf32>
    tpu.vector_store %arg2[%swap3A, %swap3A_9, %swap3A_10], %swap3A_13 {strides = array<i32>} : memref<1x1x32768xf32, #tpu.memory_space<vmem>>, vector<1x1x32768xf32>,
    return
  }
  func.func @transform_0(%arg0: i32) -> (i32, i32, i32) {
    %c0_i32 = arith.constant 0 : i32
    %c0_i32_0 = arith.constant 0 : i32
    %c0_i32_1 = arith.constant 0 : i32
    return %arg0, %c0_i32, %c0_i32_0 : i32, i32, i32
  }
  func.func @transform_1(%arg0: i32) -> (i32, i32, i32) {
    %c0_i32 = arith.constant 0 : i32
    %c0_i32_0 = arith.constant 0 : i32
    %c0_i32_1 = arith.constant 0 : i32
    return %arg0, %c0_i32, %c0_i32_0 : i32, i32, i32
  }
}

</mosaic_0001>

<sc_bundles>
// kernel: kernel.4.cloned.1.call-start
scs
__scs_entry_jumppad:
0x0: {  	(pc) =	sbr.rel $0x88, $3  }
0x1: {  	(tag) =	ssettag $0x0;
	lr =	simm.s32 $0x1  }
0x2: {  	[smem:$0x3F9F] =	sst lr;
	_ =	strace $0xD0000000  }
0x3: {  	_ = 	snop  }
0x4: {  	_ = 	snop  }
0x5: {  	_ = 	snop  }
0x6: {  	_ = 	snop  }
0x7: {  	_ = 	snop  }
__scs_overlays_trampoline_lowered:
0x8: {  	[smem:$0x3FAE] =	sst s0  }
0x9: {  	[smem:$0x3FAF] =	sst s1  }
0xa: {  	[smem:$0x3FB0] =	sst s2  }
0xb: {  	[smem:$0x3FB1] =	sst s3  }
0xc: {  	[smem:$0x3FB2] =	sst s4  }
0xd: {  	[smem:$0x3FB3] =	sst s5  }
0xe: {  	[smem:$0x3FB4] =	sst s6  }
0xf: {  	[smem:$0x3FB5] =	sst s7  }
0x10: {  	[smem:$0x3FB6] =	sst s8  }
0x11: {  	[smem:$0x3FB7] =	sst s9;
	s0 =	simm.s32 @!p0 $0x0  }
0x12: {  	s1 =	sld [smem:$0x3F9D];
	s0 =	simm.s32 @p0 $0x1  }
0x13: {  	[smem:$0x3FB8] =	sst s0;
	s0 =	simm.s32 @!p1 $0x0  }
0x14: {  	s2 =	sld [smem:$0x3F9C];
	s0 =	simm.s32 @p1 $0x1  }
0x15: {  	[smem:$0x3FB9] =	sst s0;
	s0 =	simm.s32 @!p2 $0x0  }
0x16: {  	s3 =	sld [smem:$0x3FDB];
	s0 =	simm.s32 @p2 $0x1  }
0x17: {  	s4 =	simm.s32 $0x1BF5;
	[smem:$0x3FBB] =	sst s0  }
0x18: {  	s0 =	sld [smem:$0x3F9E];
	_ =	swait.ge [sflag:s4], $0x0  }
0x19: {  	s7 =	sld [smem:$0x3F9F]  }
0x1a: {  	s8 =	sadd.s32 $0xFFFFE003, lr  }
0x1b: {  	s9 =	sadd.s32 $0xFFFFFEF7, lr;
	s5 =	simm.s32 $0xFFFFFFFF;
	p2 =	slt.u32 s8, $0xFFFFF086  }
0x1c: {  	p1 =	slt.u32 s9, $0xF7A;
	s5 =	simm.s32 @!p2 $0x0  }
0x1d: {  	s5 =	simm.s32 @p1 $0x1;
	p0 =	seq.s32 s7, s2  }
0x1e: {  	s7 =	smul.u32 @!p0 $0xF7A, s2;
	p2 =	seq.s32 @!p0 s5, $0x0  }
0x1f: {  	s9 =	smul.u32 $0xF7A, s1;
	s8 =	simm.s32 @!p0 $0x1BF5;
	p2 =	por !p2, p0  }
0x20: {  	[sflag:s8] =	ssyncset.s32 @!p0 $0xFFFFF086;
	s6 =	sadd.s32 @!p0 s3, s7;
	s7 =	simm.s32 @!p0 $0x108  }
0x21: {  	s3 =	sadd.s32 s3, s9;
	s6 =	sadd.s32 @!p0 $0x88, s6;
	s7 =	simm.s32 @p2 $0x1082  }
0x22: {  	[simem:s7], [sflag:s8] =	dma.local @!p0 [hbm:s6], $0xF7A  }
0x23: {  	s9 =	sor.u32 $0xD0000000, s2;
	s6 =	simm.s32 $0x108;
	_ =	swait.ge @!p0 [sflag:s8], $0x0  }
0x24: {  	s3 =	sadd.s32 $0x88, s3;
	s6 =	simm.s32 @!p1 $0x1082;
	[sflag:s4] =	ssyncset.s32 $0xFFFFF086  }
0x25: {  	[simem:s6], [sflag:s4] =	dma.local [hbm:s3], $0xF7A  }
0x26: {  	[smem:$0x3F9F] =	sst s1;
	(tag) =	ssettag s2;
	_ =	strace s9  }
0x27: {  	s1 =	sld [smem:$0x3FAF]  }
0x28: {  	s2 =	sld [smem:$0x3FB0]  }
0x29: {  	s4 =	sld [smem:$0x3FB2]  }
0x2a: {  	p0 =	seq.s32 s5, $0x0;
	s5 =	sld [smem:$0x3FB3]  }
0x2b: {  	s6 =	sld [smem:$0x3FB4]  }
0x2c: {  	s7 =	sld [smem:$0x3FB5]  }
0x2d: {  	s3 =	simm.s32 $0x108;
	s8 =	sld [smem:$0x3FB6]  }
0x2e: {  	s3 =	simm.s32 @!p0 $0x1082;
	s9 =	sld [smem:$0x3FB7]  }
0x2f: {  	lr =	sadd.s32 s0, s3;
	s0 =	sld [smem:$0x3FAE]  }
0x30: {  	s3 =	sld [smem:$0x3FB1]  }
0x31: {  	[smem:$0x3FBA] =	sst s10  }
0x32: {  	s10 =	sld [smem:$0x3FB8];
	_ =	sdelay $0x3  }
0x33: {  	p0 =	seq.s32 s10, $0x1;
	s10 =	sld [smem:$0x3FBA];
	_ =	sdelay $0x3  }
0x34: {  	[smem:$0x3FBA] =	sst s10  }
0x35: {  	s10 =	sld [smem:$0x3FB9];
	_ =	sdelay $0x3  }
0x36: {  	p1 =	seq.s32 s10, $0x1;
	s10 =	sld [smem:$0x3FBA];
	_ =	sdelay $0x3  }
0x37: {  	[smem:$0x3FBA] =	sst s10  }
0x38: {  	s10 =	sld [smem:$0x3FBB]  }
0x39: {  	_ = 	snop;
	(pc) =	sbr.ind lr, $3  }
0x3a: {  	_ = 	snop  }
0x3b: {  	_ = 	snop  }
0x3c: {  	p2 =	seq.s32 s10, $0x1;
	s10 =	sld [smem:$0x3FBA]  }
0x3d: {  	_ =	shalt  }
0x3e: {  	_ =	shalt  }
0x3f: {  	_ =	shalt  }
0x40: {  	_ =	shalt  }
0x41: {  	_ =	shalt  }
0x42: {  	_ =	shalt  }
0x43: {  	_ =	shalt  }
0x44: {  	_ =	shalt  }
0x45: {  	_ =	shalt  }
0x46: {  	_ =	shalt  }
0x47: {  	_ =	shalt  }
0x48: {  	_ =	shalt  }
0x49: {  	_ =	shalt  }
0x4a: {  	_ =	shalt  }
0x4b: {  	_ =	shalt  }
0x4c: {  	_ =	shalt  }
0x4d: {  	_ =	shalt  }
0x4e: {  	_ =	shalt  }
0x4f: {  	_ =	shalt  }
0x50: {  	_ =	shalt  }
0x51: {  	_ =	shalt  }
0x52: {  	_ =	shalt  }
0x53: {  	_ =	shalt  }
0x54: {  	_ =	shalt  }
0x55: {  	_ =	shalt  }
0x56: {  	_ =	shalt  }
0x57: {  	_ =	shalt  }
0x58: {  	_ =	shalt  }
0x59: {  	_ =	shalt  }
0x5a: {  	_ =	shalt  }
0x5b: {  	_ =	shalt  }
0x5c: {  	_ =	shalt  }
0x5d: {  	_ =	shalt  }
0x5e: {  	_ =	shalt  }
0x5f: {  	_ =	shalt  }
0x60: {  	_ =	shalt  }
0x61: {  	_ =	shalt  }
0x62: {  	_ =	shalt  }
0x63: {  	_ =	shalt  }
0x64: {  	_ =	shalt  }
0x65: {  	_ =	shalt  }
0x66: {  	_ =	shalt  }
0x67: {  	_ =	shalt  }
0x68: {  	_ =	shalt  }
0x69: {  	_ =	shalt  }
0x6a: {  	_ =	shalt  }
0x6b: {  	_ =	shalt  }
0x6c: {  	_ =	shalt  }
0x6d: {  	_ =	shalt  }
0x6e: {  	_ =	shalt  }
0x6f: {  	_ =	shalt  }
0x70: {  	_ =	shalt  }
0x71: {  	_ =	shalt  }
0x72: {  	_ =	shalt  }
0x73: {  	_ =	shalt  }
0x74: {  	_ =	shalt  }
0x75: {  	_ =	shalt  }
0x76: {  	_ =	shalt  }
0x77: {  	_ =	shalt  }
0x78: {  	_ =	shalt  }
0x79: {  	_ =	shalt  }
0x7a: {  	_ =	shalt  }
0x7b: {  	_ =	shalt  }
0x7c: {  	_ =	shalt  }
0x7d: {  	_ =	shalt  }
0x7e: {  	_ =	shalt  }
0x7f: {  	_ =	shalt  }
0x80: {  	_ =	shalt  }
0x81: {  	_ =	shalt  }
0x82: {  	_ =	shalt  }
0x83: {  	_ =	shalt  }
0x84: {  	_ =	shalt  }
0x85: {  	_ =	shalt  }
0x86: {  	_ =	shalt  }
0x87: {  	_ =	shalt  }
.Lfunc_end0:
.L_simem_size_0:
called_computation_lowered:
.L_overlay_start_0:
0x88: {  	s2 =	sld [smem:$0x3FD9]  }
0x89: {  	s3 =	sld [smem:$0x3FFE];
	_ =	sdelay $0x1  }
0x8a: {  	s1 =	srdreg.scid  }
0x8b: {  	s0 =	sand.u32 $0x1, s1  }
0x8c: {  	s17 =	sshll.u32 s0, $0xA;
	s2 =	sadd.s32 s3, s2  }
0x8d: {  	s2 =	sadd.s32 s2, s17  }
0x8e: {  	[smem:$0x3FC6] =	sst s2  }
0x8f: {  	_ = 	snop  }
0x90: {  	s2 =	sld [smem:$0x3FC9]  }
0x91: {  	s18 =	sld [smem:$0x3FD0];
	(tm) =	ssettm $0x1  }
0x92: {  	s4 =	sld [smem:$0x3FFB];
	_ =	sdelay $0x3  }
0x93: {  	_ =	strace s4  }
0x94: {  	s4 =	sld [smem:$0x3FFC];
	_ =	sdelay $0x3  }
0x95: {  	_ =	strace s4  }
0x96: {  	s4 =	sld [smem:$0x3FFD];
	_ =	sdelay $0x3  }
0x97: {  	_ =	strace s4  }
0x98: {  	_ =	strace $0x8FFFFFFF  }
0x99: {  	s19 =	sld [smem:$0x3FDB];
	_ =	sdelay $0x1  }
0x9a: {  	s5 =	simm.s32 $_scs_section_size  }
0x9b: {  	s6 =	simm.s32 $_size__tile_overlayer_lowered;
	s7 =	simm.s32 $_tile_overlayer_lowered  }
0x9c: {  	s22 =	simm.s32 $0x1BFF;
	s21 =	sshll.u32 s7, $0x1;
	s4 =	sadd.s32 s5, s19  }
0x9d: {  	s8 =	simm.s32 $0x0;
	s20 =	sshll.u32 s6, $0x1;
	s6 =	sadd.s32 s21, s4  }
0x9e: {  	[timem:s8], [sflag:s22] =	dma.local [hbm:s6], s20  }
0x9f: {  	_ =	swait.ge [sflag:s22], s20  }
0xa0: {  	s5 =	ssub.s32 $0x0, s20;
	[sflag:s22] =	ssyncset.done $0x0  }
0xa1: {  	[sflag:s22] =	ssyncadd.s32 s5;
	_ =	sdelay $0x1  }
0xa2: {  	s23 =	simm.s32 $0x1B8B  }
0xa3: {  	_ =	swait.ge [sflag:s23], $0x1  }
0xa4: {  	[sflag:s23] =	ssyncset.done $0x0  }
0xa5: {  	s25 =	simm.s32 $0x1B8E;
	s24 =	sld [smem:$0x3FFE];
	[sflag:s23] =	ssyncadd.s32 $0xFFFFFFFF  }
0xa6: {  	s26 =	simm.s32 $execute0_lowered;
	[smem:$0x3FD2] =	sst s25  }
0xa7: {  	s6 =	sshll.u32 s26, $0x1;
	_ =	strace $0x80000046;
	[dreg:$0x1] =	wrdreg $0xFFFFFFFF  }
0xa8: {  	s28 =	simm.s32 $_size_execute0_lowered;
	s4 =	sadd.s32 s4, s6;
	[dreg:$0x0] =	wrdreg $0x0  }
0xa9: {  	s6 =	sshll.u32 s28, $0x1;
	[dreg:$0x2] =	wrdreg s4  }
0xaa: {  	[dreg:$0x3] =	wrdreg s6  }
0xab: {  	[dreg:$0x4] =	wrdreg $0xC0  }
0xac: {  	_ =	task [dreg:s8], $0x5FFFF  }
0xad: {  	[dreg:$0x1] =	wrdreg $0xFFFFFFFF  }
0xae: {  	[dreg:$0x0] =	wrdreg $0x60  }
0xaf: {  	[dreg:$0x2] =	wrdreg s2  }
0xb0: {  	[dreg:$0x3] =	wrdreg s18  }
0xb1: {  	[dreg:$0x4] =	wrdreg s24  }
0xb2: {  	[dreg:$0x5] =	wrdreg $0x9  }
0xb3: {  	_ =	task.clear_ibuf [dreg:s8], $0x6FFFF;
	_ =	strace $0x90000046  }
0xb4: {  	s29 =	simm.s32 $0x9;
	_ =	strace $0x80000048  }
0xb5: {  	_ =	swait.ge [sflag:s29], $0x1  }
0xb6: {  	[sflag:s29] =	ssyncadd.s32 $0xFFFFFFFF  }
0xb7: {  	_ =	strace $0x90000048  }
0xb8: {  	_ =	sfence  }
0xb9: {  	s30 =	sld [smem:$0x0];
	_ =	sdelay $0x2  }
0xba: {  	s31 =	sshll.u32 s1, $0xD;
	s1 =	sshrl.u32 s1, $0x2  }
0xbb: {  	s3 =	sand.u32 $0x4000, s31;
	s1 =	sadd.s32 s1, s30  }
0xbc: {  	s0 =	sor.u32 s3, s0;
	s1 =	sshll.u32 s1, $0x11  }
0xbd: {  	s0 =	sor.u32 s1, s0  }
0xbe: {  	s0 =	sadd.s32 $0x8F2B, s0  }
0xbf: {  	[sflag:s0] =	ssyncadd.remote.s32 $0x1  }
0xc0: {  	_ =	sfence.sel $0xFFFF  }
0xc1: {  	[dreg:$0x0] =	wrdreg $0xFFFFFFFF;
	(pc) =	sbr.abs _section_cstart, $3  }
0xc2: {  	[dreg:$0x1] =	wrdreg $0xFFFFFFFF  }
0xc3: {  	_ =	task.clear_ibuf [dreg:s8], $0x2FFFF;
	_ =	strace $0x9FFFFFFF  }
0xc4: {  	(tm) =	ssettm $0x7FFFFFFF  }
0xc5: {  	_ =	shalt  }
tec
execute0_lowered:
.L_overlay_start_1:
0x0: {  	(tag) =	ssettag $0x1  }
0x1: {  	s8 =	rddreg [dreg:$0x0]  }
0x2: {  	s2 =	rddreg [dreg:$0x1]  }
0x3: {  	s5 =	rddreg [dreg:$0x2]  }
0x4: {  	s0 =	rddreg [dreg:$0x3]  }
0x5: {  	s3 =	simm.s32 $0x0;
	s1 =	stileid.u32;
	s4 =	srdreg.scid  }
0x6: {  	s10 =	simm.s32 $0x1;
	s16 =	simm.s32 $0x800;
	s17 =	simm.s32 $0x880  }
0x7: {  	s18 =	simm.s32 $0x1080;
	s19 =	simm.s32 $0x1880;
	s20 =	simm.s32 $0x2  }
0x8: {  	s21 =	simm.s32 $0x0;
	[smem:$0x7FF] =	sst s3;
	s6 =	sand.u32 $0x1, s4  }
0x9: {  	s26 =	sshll.u32 s1, $0x1;
	s7 =	sshll.u32 s1, $0xD;
	s4 =	sadd.s32 $0x400, s5  }
0xa: {  	_ =	strace $0x80000047;
	s9 =	sor.u32 s6, s26;
	p1 =	seq.s32 s6, $0x1  }
0xb: {  	s7 =	sand.u32 $0x18000, s7;
	s6 =	ssub.s32 $0x2, s6;
	p0 =	seq.s32 s9, $0x0  }
0xc: {  	s11 =	sadd.s32 s7, s5;
	s28 =	sshrl.u32 s6, $0x1;
	s5 =	simm.s32 $0x32  }
0xd: {  	s9 =	sshll.u32 s9, $0x4;
	p0 =	por !p0, !p1;
	s12 =	ssub.s32 s6, s28  }
0xe: {  	s6 =	simm.s32 $0x1;
	s5 =	simm.s32 @!p1 $0x0;
	p0 =	por !p0, !p0  }
0xf: {  	s31 =	sand.u32 $0x70, s9;
	s14 =	sshll.u32 s5, $0xB;
	s10 =	simm.s32 @!p0 $0x0  }
0x10: {  	s15 =	sshll.u32 s5, $0x7;
	s11 =	sadd.s32 s31, s11;
	s10 =	ssub.s32 s1, s10  }
0x11: {  	s14 =	sand.u32 $0x18000, s14;
	s29 =	sshll.u32 s10, $0xB;
	s7 =	smul.u32 $0x34000, s10  }
0x12: {  	s15 =	sand.u32 $0x100, s15;
	s10 =	sshll.u32 s10, $0x7;
	s13 =	sand.u32 $0xFFFFC000, s29  }
.Ltmp0:
0x13: {  	s10 =	sand.u32 $0x380, s10;
	s14 =	sadd.s32 s14, s7;
	(pc) =	sbr.rel .LBB2_1-.Ltmp0, $4  }
0x14: {  	v0 =	vlaneseq.u32;
	s12 =	smax.u32 s12, $0x1;
	s10 =	sor.u32 s10, s13;
	s30 =	sor.u32 s15, s14  }
0x15: {  	v1 =	vmul.u32 $0xFFFFFFFF, v0;
	s11 =	sadd.s32 $0x68400, s11;
	s10 =	sshrl.u32 s10, $0x3;
	s13 =	sshrl.u32 s30, $0x3  }
0x16: {  	s14 =	simm.s32 $0x400;
	s15 =	simm.s32 $0x3;
	s9 =	sadd.s32 s4, s13  }
0x17: {  	v2 =	vimm.f32 $0.0e+00;
	v4 =	vimm.f32 $9.999999770e-03;
	v3 =	vadd.s32 $0xF, v1;
	s8 =	sadd.s32 s8, s10;
	s13 =	simm.s32 $0x80;
	s10 =	sadd.s32 $0x10, s9  }
.LBB2_20:
0x18: {  	s21 =	sadd.s32 $0x1, s21  }
0x19: {  	p0 =	sne.s32 s21, s12  }
.Ltmp1:
0x1a: {  	_ = 	snop;
	(pc) =	sbr.rel @!p0 .LBB2_21-.Ltmp1, $4  }
0x1b: {  	[hbm4b:s11+s13] =	stream.strided.scatter [tilespmem:s19], [sflag:$0x3], $0x8000, s14, s13, $0x38;
	[tilespmem:$0x9880] =	vst v63  }
0x1c: {  	_ =	swait.ge [sflag:s15], $0x8000  }
0x1d: {  	[sflag:s15] =	ssyncset.done $0x0  }
0x1e: {  	[sflag:s15] =	ssyncadd.s32 $0xFFFF8000  }
.LBB2_1:
0x1f: {  	[tilespmem:s3], [sflag:$0x3] =	stream.strided.gather [hbm4b:s8+s13], $0x800, s14, s13, $0x38;
	[tilespmem:$0x9880] =	vst v63  }
0x20: {  	_ =	swait.ge [sflag:s15], $0x800  }
0x21: {  	[sflag:s15] =	ssyncset.done $0x0  }
0x22: {  	[sflag:s15] =	ssyncadd.s32 $0xFFFFF800  }
0x23: {  	[tilespmem:s16], [sflag:$0x3] =	stream.linear.gather [hbm4b:s2+s3], $0x80, $0x38;
	[tilespmem:$0x9880] =	vst v63  }
0x24: {  	_ =	swait.ge [sflag:s15], $0x80  }
0x25: {  	[sflag:s15] =	ssyncset.done $0x0  }
0x26: {  	s22 =	simm.s32 $0x40;
	s23 =	simm.s32 $0x0;
	[sflag:s15] =	ssyncadd.s32 $0xFFFFFF80  }
.LBB2_2:
0x27: {  	p0 =	sne.s32 s22, $0x1FFC0;
	[tilespmem:s23+$0x1880] =	vst v2;
	s23 =	smov.u32 s22;
	s22 =	sadd.s32 $0x40, s22  }
.Ltmp2:
0x28: {  	(pc) =	sbr.rel @p0 .LBB2_2-.Ltmp2, $2  }
0x29: {  	_ =	sdelay $0x2  }
0x2a: {  	s23 =	sshra.s32 s23, $0x2  }
0x2b: {  	[tilespmem:s23+$0x1880] =	vst v2  }
0x2c: {  	v5 =	vld [tilespmem:$0x800];
	[tilespmem:s17], [sflag:$0x1] =	stream.strided.gather [hbm4b:s9+s13], $0x800, s14, s13, $0x38  }
0x2d: {  	s22 =	simm.s32 $0x0;
	s23 =	simm.s32 $0x0  }
0x2e: {  	[tilespmem:s18], [sflag:$0x2] =	stream.strided.gather [hbm4b:s10+s13], $0x800, s14, s13, $0x38;
	[tilespmem:$0x9880] =	vst v63  }
.LBB2_4:
0x2f: {  	_ =	swait.ge [sflag:s6], $0x800  }
0x30: {  	[sflag:s6] =	ssyncset.done $0x0  }
0x31: {  	s24 =	simm.s32 $0x880;
	[sflag:s6] =	ssyncadd.s32 $0xFFFFF800  }
0x32: {  	v6 =	vld [tilespmem:s24+$0x0];
	_ =	sdelay $0x1  }
0x33: {  	v7 =	vld [tilespmem:s22+$0x0];
	_ =	sdelay $0x2  }
0x34: {  	v6 =	vmul.f32 v6, v5;
	_ =	sdelay $0x1  }
0x35: {  	s26 =	simm.s32 $0x890;
	v6 =	vadd.f32 v6, v7  }
0x36: {  	v7 =	vld [tilespmem:s26+$0x0]  }
0x37: {  	s29 =	simm.s32 $0x10;
	v8 =	vshra.s32 v6, $0x1F  }
0x38: {  	s25 =	simm.s32 $0x7FF;
	v9 =	vld [tilespmem:s29+$0x0];
	v6 =	vand.u32 $0xFFFFF800, v6;
	v8 =	vand.u32 $0x7FFFF800, v8  }
0x39: {  	s30 =	simm.s32 $0x8A0;
	v10 =	vadd.s32 s25, v1;
	v8 =	vxor.u32 v6, v8  }
0x3a: {  	v12 =	vld [tilespmem:s30+$0x0];
	v6 =	vimm.s32 $0x80000000;
	v8 =	vor.u32 v10, v8  }
0x3b: {  	v7 =	vmul.f32 v7, v5;
	vm0 =	vlt.s32 v6, v8  }
0x3c: {  	v10 =	vsel vm0, v6, v8  }
0x3d: {  	s31 =	simm.s32 $0x7EF;
	v7 =	vadd.f32 v7, v9;
	vm1 =	vlt.s32 v6, v10  }
0x3e: {  	v17 =	vadd.s32 s31, v1;
	v9 =	vsel vm1, v6, v10  }
0x3f: {  	v12 =	vmul.f32 v12, v5;
	v11 =	vshra.s32 v7, $0x1F;
	vm2 =	vlt.s32 v6, v9  }
0x40: {  	s24 =	simm.s32 $0x20;
	v7 =	vand.u32 $0xFFFFF800, v7;
	v11 =	vand.u32 $0x7FFFF800, v11;
	v13 =	vsel vm2, v6, v9  }
0x41: {  	v16 =	vsel vm0, v8, v6;
	v7 =	vxor.u32 v7, v11;
	v11 =	vld [tilespmem:s24+$0x0];
	vm3 =	vlt.s32 v6, v13  }
0x42: {  	v15 =	vsel vm1, v10, v6;
	v18 =	vor.u32 v17, v7;
	v8 =	vsel vm3, v6, v13  }
0x43: {  	v14 =	vsel vm2, v9, v6;
	vm1 =	vlt.s32 v16, v18;
	vm0 =	vlt.s32 v6, v8  }
0x44: {  	v19 =	vsel vm1, v16, v18;
	v10 =	vsel vm0, v8, v6;
	v8 =	vsel vm0, v6, v8  }
0x45: {  	v13 =	vsel vm3, v13, v6;
	vm3 =	vlt.s32 v15, v19;
	vm0 =	vlt.s32 v6, v8  }
0x46: {  	v12 =	vadd.f32 v12, v11;
	v17 =	vsel vm3, v15, v19;
	v7 =	vsel vm0, v6, v8  }
0x47: {  	v9 =	vsel vm0, v8, v6;
	vm2 =	vlt.s32 v14, v17;
	vm0 =	vlt.s32 v6, v7  }
0x48: {  	v8 =	vsel vm0, v7, v6;
	v11 =	vsel vm0, v6, v7;
	v7 =	vshra.s32 v12, $0x1F  }
0x49: {  	v12 =	vand.u32 $0xFFFFF800, v12;
	v7 =	vand.u32 $0x7FFFF800, v7;
	vm0 =	vlt.s32 v6, v11  }
0x4a: {  	s28 =	simm.s32 $0x8B0;
	s25 =	simm.s32 $0x7CF;
	s26 =	simm.s32 $0x7DF;
	v20 =	vxor.u32 v12, v7;
	v12 =	vsel vm0, v6, v11;
	v7 =	vimm.s32 $0x80000000  }
.LBB2_5:
0x4b: {  	v21 =	vld [tilespmem:s28+$0x0];
	p0 =	sne.s32 s25, $0xF;
	v22 =	vsel vm2, v14, v17;
	v6 =	vsel vm0, v11, v6;
	vm0 =	vgt.s32 v7, v12;
	s29 =	smov.u32 s25;
	s25 =	sadd.s32 $0xFFFFFFF0, s25  }
0x4c: {  	s24 =	sadd.s32 $0x10, s24;
	v16 =	vsel vm1, v18, v16;
	vm1 =	vlt.s32 v13, v22;
	v7 =	vsel vm0, v7, v12  }
0x4d: {  	v15 =	vsel vm3, v19, v15;
	v11 =	vld [tilespmem:s24+$0x0];
	v12 =	vsel vm1, v13, v22;
	v13 =	vsel vm1, v22, v13  }
0x4e: {  	vm0 =	vlt.s32 v10, v12  }
0x4f: {  	v18 =	vadd.s32 s26, v1;
	s26 =	smov.u32 s29;
	v19 =	vsel vm0, v10, v12;
	v10 =	vsel vm0, v12, v10  }
0x50: {  	v14 =	vsel vm2, v17, v14;
	v12 =	vmul.f32 v21, v5;
	vm0 =	vlt.s32 v9, v19  }
0x51: {  	v18 =	vor.u32 v18, v20;
	v17 =	vsel vm0, v9, v19;
	v9 =	vsel vm0, v19, v9  }
.Ltmp3:
0x52: {  	vm1 =	vlt.s32 v16, v18;
	v12 =	vadd.f32 v12, v11;
	vm0 =	vlt.s32 v8, v17;
	(pc) =	sbr.rel @p0 .LBB2_5-.Ltmp3, $4  }
0x53: {  	v19 =	vsel vm1, v16, v18;
	v11 =	vsel vm0, v8, v17;
	v8 =	vsel vm0, v17, v8  }
0x54: {  	vm3 =	vlt.s32 v15, v19;
	v17 =	vshra.s32 v12, $0x1F;
	v12 =	vand.u32 $0xFFFFF800, v12  }
0x55: {  	vm0 =	vlt.s32 v6, v11;
	v20 =	vand.u32 $0x7FFFF800, v17;
	v17 =	vsel vm3, v15, v19  }
0x56: {  	s28 =	sadd.s32 $0x10, s28;
	v20 =	vxor.u32 v12, v20;
	vm2 =	vlt.s32 v14, v17;
	v12 =	vsel vm0, v6, v11  }
0x57: {  	v21 =	vadd.s32 s26, v1  }
0x58: {  	v16 =	vsel vm1, v18, v16;
	v55 =	vor.u32 v21, v20  }
0x59: {  	vm1 =	vlt.s32 v16, v55  }
0x5a: {  	v15 =	vsel vm3, v19, v15;
	v56 =	vsel vm1, v16, v55  }
0x5b: {  	v16 =	vsel vm1, v55, v16;
	vm3 =	vlt.s32 v15, v56  }
0x5c: {  	v58 =	vxor.u32 $0x80000000, v16;
	v57 =	vsel vm3, v56, v15  }
0x5d: {  	(xrf1) =	vsort.ascd.msk.u32 $0xffff, v58, v16;
	v59 =	vxor.u32 $0x80000000, v57  }
0x5e: {  	(xrf1) =	vsort.ascd.msk.u32 $0xffff, v59, v57;
	_ =	sdelay $0xc  }
0x5f: {  	v60, _, _ =	vpop (xrf1)  }
0x60: {  	v18, _, _ =	vpop (xrf1)  }
0x61: {  	v18 =	vxor.u32 $0x80000000, v18  }
0x62: {  	v18 =	vperm.xlane v18, v3  }
0x63: {  	v16 =	vxor.u32 $0x80000000, v60  }
0x64: {  	v61 =	vsel vm2, v17, v14;
	v15 =	vsel vm3, v15, v56;
	vm1 =	vgt.s32 v16, v18  }
0x65: {  	vm3 =	vlt.s32 v61, v15;
	v62 =	vsel vm1, v16, v18  }
0x66: {  	v63 =	vsel vm3, v15, v61;
	v22 =	vxor.u32 $0x80000000, v62  }
0x67: {  	v24 =	vxor.u32 $0x80000000, v63;
	(xrf1) =	vsort.ascd.msk.u32 $0xffff, v22, v62  }
0x68: {  	(xrf1) =	vsort.ascd.msk.u32 $0xffff, v24, v63;
	_ =	sdelay $0xc  }
0x69: {  	v25, _, _ =	vpop (xrf1)  }
0x6a: {  	v21, _, _ =	vpop (xrf1)  }
0x6b: {  	v21 =	vxor.u32 $0x80000000, v21  }
0x6c: {  	v26 =	vsel vm2, v14, v17;
	v17 =	vperm.xlane v21, v3  }
0x6d: {  	vm4 =	vlt.s32 v13, v26;
	v19 =	vxor.u32 $0x80000000, v25  }
0x6e: {  	v27 =	vsel vm4, v26, v13;
	v15 =	vsel vm3, v61, v15;
	vm2 =	vlt.s32 v19, v17  }
0x6f: {  	vm3 =	vlt.s32 v27, v15;
	v28 =	vsel vm2, v17, v19  }
0x70: {  	v29 =	vsel vm3, v15, v27;
	v23 =	vxor.u32 $0x80000000, v28  }
0x71: {  	v30 =	vxor.u32 $0x80000000, v29;
	(xrf1) =	vsort.ascd.msk.u32 $0xffff, v23, v28  }
0x72: {  	(xrf1) =	vsort.ascd.msk.u32 $0xffff, v30, v29;
	_ =	sdelay $0xc  }
0x73: {  	v31, _, _ =	vpop (xrf1)  }
0x74: {  	v22, _, _ =	vpop (xrf1)  }
0x75: {  	v22 =	vxor.u32 $0x80000000, v22  }
0x76: {  	v32 =	vsel vm4, v13, v26;
	v33 =	vperm.xlane v22, v3  }
0x77: {  	vm4 =	vlt.s32 v10, v32;
	v20 =	vxor.u32 $0x80000000, v31  }
0x78: {  	v34 =	vsel vm4, v32, v10;
	v15 =	vsel vm3, v27, v15;
	vm3 =	vlt.s32 v20, v33  }
0x79: {  	vm5 =	vlt.s32 v34, v15;
	v35 =	vsel vm3, v33, v20  }
0x7a: {  	v36 =	vsel vm5, v15, v34;
	v24 =	vxor.u32 $0x80000000, v35  }
0x7b: {  	v37 =	vxor.u32 $0x80000000, v36;
	(xrf1) =	vsort.ascd.msk.u32 $0xffff, v24, v35  }
0x7c: {  	(xrf1) =	vsort.ascd.msk.u32 $0xffff, v37, v36;
	_ =	sdelay $0xc  }
0x7d: {  	v38, _, _ =	vpop (xrf1)  }
0x7e: {  	v23, _, _ =	vpop (xrf1)  }
0x7f: {  	v23 =	vxor.u32 $0x80000000, v23  }
0x80: {  	v39 =	vsel vm4, v10, v32;
	v40 =	vperm.xlane v23, v3  }
0x81: {  	vm6 =	vlt.s32 v9, v39;
	v21 =	vxor.u32 $0x80000000, v38  }
0x82: {  	v41 =	vsel vm6, v39, v9;
	v15 =	vsel vm5, v34, v15;
	vm12 =	vlt.s32 v21, v40  }
0x83: {  	vm5 =	vlt.s32 v41, v15;
	v42 =	vsel vm12, v40, v21  }
0x84: {  	v43 =	vsel vm5, v15, v41;
	v25 =	vxor.u32 $0x80000000, v42  }
0x85: {  	v44 =	vxor.u32 $0x80000000, v43;
	(xrf1) =	vsort.ascd.msk.u32 $0xffff, v25, v42  }
0x86: {  	(xrf1) =	vsort.ascd.msk.u32 $0xffff, v44, v43;
	_ =	sdelay $0xc  }
0x87: {  	v45, _, _ =	vpop (xrf1)  }
0x88: {  	v24, _, _ =	vpop (xrf1)  }
0x89: {  	v24 =	vxor.u32 $0x80000000, v24  }
0x8a: {  	v46 =	vsel vm6, v9, v39;
	v47 =	vperm.xlane v24, v3  }
0x8b: {  	vm6 =	vlt.s32 v8, v46;
	v22 =	vxor.u32 $0x80000000, v45  }
0x8c: {  	v48 =	vsel vm6, v46, v8;
	v15 =	vsel vm5, v41, v15;
	vm13 =	vlt.s32 v22, v47  }
0x8d: {  	vm7 =	vlt.s32 v48, v15;
	v49 =	vsel vm13, v47, v22  }
0x8e: {  	v50 =	vsel vm7, v15, v48;
	v26 =	vxor.u32 $0x80000000, v49  }
0x8f: {  	v51 =	vxor.u32 $0x80000000, v50;
	(xrf1) =	vsort.ascd.msk.u32 $0xffff, v26, v49  }
0x90: {  	(xrf1) =	vsort.ascd.msk.u32 $0xffff, v51, v50;
	_ =	sdelay $0xc  }
0x91: {  	v52, _, _ =	vpop (xrf1)  }
0x92: {  	v25, _, _ =	vpop (xrf1)  }
0x93: {  	v25 =	vxor.u32 $0x80000000, v25  }
0x94: {  	v6 =	vsel vm0, v11, v6;
	v8 =	vsel vm6, v8, v46;
	v53 =	vperm.xlane v25, v3  }
0x95: {  	vm6 =	vlt.s32 v6, v8;
	v54 =	vxor.u32 $0x80000000, v52  }
0x96: {  	v55 =	vsel vm6, v8, v6;
	v15 =	vsel vm7, v48, v15;
	vm14 =	vlt.s32 v54, v53  }
0x97: {  	vm7 =	vlt.s32 v55, v15;
	v56 =	vsel vm14, v53, v54  }
0x98: {  	v57 =	vsel vm7, v15, v55;
	v58 =	vxor.u32 $0x80000000, v56  }
0x99: {  	v59 =	vxor.u32 $0x80000000, v57;
	(xrf1) =	vsort.ascd.msk.u32 $0xffff, v58, v56  }
0x9a: {  	(xrf1) =	vsort.ascd.msk.u32 $0xffff, v59, v57;
	_ =	sdelay $0xc  }
0x9b: {  	vm8 =	vgt.s32 v7, v12;
	v60, _, _ =	vpop (xrf1)  }
0x9c: {  	v7 =	vsel vm8, v7, v12;
	v6 =	vsel vm6, v6, v8;
	v25, _, _ =	vpop (xrf1)  }
0x9d: {  	vm6 =	vgt.s32 v7, v6;
	v8 =	vxor.u32 $0x80000000, v25  }
0x9e: {  	v6 =	vsel vm6, v7, v6;
	v7 =	vsel vm7, v55, v15;
	v8 =	vperm.xlane v8, v3  }
0x9f: {  	vm6 =	vgt.s32 v6, v7;
	v61 =	vxor.u32 $0x80000000, v60  }
0xa0: {  	v6 =	vsel vm6, v6, v7;
	v7 =	vsel vm1, v18, v16;
	vm15 =	vlt.s32 v61, v8  }
0xa1: {  	vm1 =	vgt.s32 v6, v7;
	v62 =	vsel vm15, v8, v61  }
0xa2: {  	v6 =	vsel vm1, v6, v7;
	v7 =	vsel vm2, v19, v17;
	v63 =	vxor.u32 $0x80000000, v62  }
0xa3: {  	vm1 =	vgt.s32 v6, v7;
	(xrf1) =	vsort.ascd.msk.u32 $0xffff, v63, v62  }
0xa4: {  	v6 =	vsel vm1, v6, v7;
	v7 =	vsel vm3, v20, v33  }
0xa5: {  	vm1 =	vgt.s32 v6, v7  }
0xa6: {  	v6 =	vsel vm1, v6, v7;
	v7 =	vsel vm12, v21, v40  }
0xa7: {  	vm1 =	vgt.s32 v6, v7  }
0xa8: {  	v6 =	vsel vm1, v6, v7;
	v7 =	vsel vm13, v22, v47  }
0xa9: {  	vm1 =	vgt.s32 v6, v7  }
0xaa: {  	v6 =	vsel vm1, v6, v7;
	v7 =	vsel vm14, v54, v53  }
0xab: {  	vm0 =	vgt.s32 v6, v7  }
0xac: {  	v6 =	vsel vm0, v6, v7;
	v7 =	vsel vm15, v61, v8  }
0xad: {  	vm0 =	vgt.s32 v6, v7  }
0xae: {  	v6 =	vsel vm0, v6, v7;
	_ =	sdelay $0x1  }
0xaf: {  	v7 =	vxor.u32 $0x80000000, v6  }
0xb0: {  	(xrf0) =	vmax.scan.msk.u32 $0xffff, v7;
	v6, _, _ =	vpop (xrf1)  }
0xb1: {  	(xrf0) =	vmin.scan.msk.u32 $0xffff, v6;
	_ =	sdelay $0x4  }
0xb2: {  	v7, _, _ =	vpop (xrf0)  }
0xb3: {  	(v2sf) =	vpush v7, $0xF;
	v7, _, _ =	vpop (xrf0)  }
0xb4: {  	(v2sf) =	vpush v7, $0xF;
	_ =	sdelay $0xd  }
0xb5: {  	s24 =	spop (v2sf)  }
0xb6: {  	s25 =	spop (v2sf)  }
0xb7: {  	s24 =	sshra.s32 s24, $0xB;
	s25 =	sshra.s32 s25, $0xB  }
0xb8: {  	s24 =	sxor.u32 $0xFFF00000, s24;
	s25 =	sxor.u32 $0xFFF00000, s25  }
0xb9: {  	p0 =	slt.s32 s24, s25  }
.Ltmp4:
0xba: {  	_ = 	snop;
	(pc) =	sbr.rel @!p0 .LBB2_8-.Ltmp4, $1  }
0xbb: {  	_ =	sdelay $0x3  }
.Ltmp5:
0xbc: {  	(pc) =	sbr.rel .LBB2_11-.Ltmp5, $2  }
0xbd: {  	_ =	sdelay $0x2  }
0xbe: {  	v6 =	vandn.u32 $0x7FF, v6  }
.LBB2_8:
0xbf: {  	s24 =	simm.s32 $0x880  }
0xc0: {  	v6 =	vld [tilespmem:s24+$0x0]  }
0xc1: {  	s30 =	simm.s32 $0x0  }
0xc2: {  	v7 =	vld [tilespmem:s30+$0x0];
	_ =	sdelay $0x2  }
0xc3: {  	v6 =	vmul.f32 v6, v5;
	_ =	sdelay $0x1  }
0xc4: {  	v6 =	vadd.f32 v6, v7  }
0xc5: {  	v7 =	vor.u32 s30, v0  }
0xc6: {  	(xrf1) =	vsort.ascd.msk.f32 $0xffff, v6, v7;
	_ =	sdelay $0x6  }
0xc7: {  	s31 =	simm.s32 $0x890  }
0xc8: {  	v6 =	vld [tilespmem:s31+$0x0]  }
0xc9: {  	s24 =	simm.s32 $0x10  }
0xca: {  	v7 =	vld [tilespmem:s24+$0x0];
	_ =	sdelay $0x2  }
0xcb: {  	v6 =	vmul.f32 v6, v5  }
0xcc: {  	v8, v9, _ =	vpop (xrf1)  }
0xcd: {  	v6 =	vadd.f32 v6, v7;
	v8 =	vperm.xlane v8, v3  }
0xce: {  	v10 =	vimm.f32 $-Inf;
	v11 =	vor.u32 s24, v0;
	v7 =	vperm.xlane v9, v3  }
0xcf: {  	v63 =	vimm.s32 $0x0;
	(xrf1) =	vsort.ascd.msk.f32 $0xffff, v6, v11;
	vm0 =	vge.f32 v10, v8  }
0xd0: {  	v6 =	vsel vm0, v10, v8;
	v7 =	vsel vm0, v63, v7  }
0xd1: {  	(xrf1) =	vsort.ascd.msk.f32 $0xffff, v6, v7;
	_ =	sdelay $0x4  }
0xd2: {  	s26 =	simm.s32 $0x8A0  }
0xd3: {  	s25 =	simm.s32 $0x20;
	s28 =	simm.s32 $0x30;
	v6 =	vld [tilespmem:s26+$0x0]  }
.LBB2_9:
0xd4: {  	p0 =	sne.s32 s28, $0x7F0;
	s24 =	sadd.s32 $0x10, s24  }
0xd5: {  	v7 =	vld [tilespmem:s24+$0x0];
	_ =	sdelay $0x2  }
0xd6: {  	v6 =	vmul.f32 v6, v5  }
0xd7: {  	v8, v9, _ =	vpop (xrf1)  }
0xd8: {  	v6 =	vadd.f32 v6, v7;
	v7 =	vperm.xlane v8, v3  }
0xd9: {  	v8 =	vor.u32 s25, v0;
	v9 =	vperm.xlane v9, v3;
	s25 =	smov.u32 s28;
	v10, v11, _ =	vpop (xrf1)  }
0xda: {  	(xrf1) =	vsort.ascd.msk.f32 $0xffff, v6, v8;
	vm0 =	vge.f32 v10, v7  }
0xdb: {  	v6 =	vsel vm0, v10, v7;
	v7 =	vsel vm0, v11, v9  }
0xdc: {  	(xrf1) =	vsort.ascd.msk.f32 $0xffff, v6, v7;
	_ =	sdelay $0x1  }
.Ltmp6:
0xdd: {  	(pc) =	sbr.rel @p0 .LBB2_9-.Ltmp6, $3  }
0xde: {  	_ =	sdelay $0x1  }
0xdf: {  	s26 =	sadd.s32 $0x10, s26  }
0xe0: {  	s28 =	sadd.s32 $0x10, s28;
	v6 =	vld [tilespmem:s26+$0x0]  }
0xe1: {  	s24 =	sadd.s32 $0x10, s24  }
0xe2: {  	v7 =	vld [tilespmem:s24+$0x0];
	_ =	sdelay $0x2  }
0xe3: {  	v6 =	vmul.f32 v6, v5  }
0xe4: {  	v8, v9, _ =	vpop (xrf1)  }
0xe5: {  	v6 =	vadd.f32 v6, v7;
	v7 =	vperm.xlane v8, v3  }
0xe6: {  	v8 =	vor.u32 s25, v0;
	v9 =	vperm.xlane v9, v3;
	v10, v11, _ =	vpop (xrf1)  }
0xe7: {  	(xrf1) =	vsort.ascd.msk.f32 $0xffff, v6, v8;
	vm0 =	vge.f32 v10, v7  }
0xe8: {  	v6 =	vsel vm0, v10, v7;
	v7 =	vsel vm0, v11, v9  }
0xe9: {  	(xrf1) =	vsort.ascd.msk.f32 $0xffff, v6, v7;
	_ =	sdelay $0xb  }
0xea: {  	v6, v7, _ =	vpop (xrf1)  }
0xeb: {  	v6 =	vperm.xlane v6, v3  }
0xec: {  	v7 =	vperm.xlane v7, v3;
	v8, v63, _ =	vpop (xrf1)  }
0xed: {  	vm15 =	vge.f32 v8, v6  }
0xee: {  	v6 =	vsel vm15, v8, v6;
	v7 =	vsel vm15, v63, v7  }
0xef: {  	(xrf1) =	vsort.ascd.msk.f32 $0xffff, v6, v7;
	_ =	sdelay $0xd  }
0xf0: {  	v7, v6, _ =	vpop (xrf1)  }
.LBB2_11:
0xf1: {  	v7 =	vxor.u32 $0x80000000, v6  }
0xf2: {  	(xrf1) =	vsort.ascd.msk.u32 $0xffff, v7, v6;
	_ =	sdelay $0xd  }
0xf3: {  	v6 =	vmul.u32 $0x800, v0;
	v7, _, _ =	vpop (xrf1)  }
0xf4: {  	s24 =	sshll.u32 s23, $0x1;
	v8 =	vxor.u32 $0x80000000, v7  }
0xf5: {  	p0 =	seq.s32 s23, $0x18;
	s24 =	sadd.s32 s5, s24;
	v8 =	vadd.s32 v6, v8  }
0xf6: {  	s25 =	sadd.s32 @!p0 $0x2, s24;
	v7 =	vand.u32 $0x7F, v7;
	v8 =	vand.u32 $0xFFFFFF80, v8  }
0xf7: {  	s26 =	sshll.u32 @!p0 s25, $0xB;
	v7 =	vor.u32 v7, v8  }
0xf8: {  	s25 =	sshll.u32 @!p0 s25, $0x7;
	s26 =	sand.u32 @!p0 $0x7C000, s26  }
0xf9: {  	s25 =	sand.u32 @!p0 $0x300, s25;
	s26 =	sadd.s32 @!p0 s7, s26  }
0xfa: {  	s25 =	sor.u32 @!p0 s25, s26  }
0xfb: {  	s28 =	simm.s32 @!p0 $0x400;
	s25 =	sshrl.u32 @!p0 s25, $0x3  }
0xfc: {  	s29 =	simm.s32 @!p0 $0x880;
	s26 =	simm.s32 @!p0 $0x80;
	s25 =	sadd.s32 @!p0 s4, s25;
	[tilespmem:v7+s19+$0x0] =	vst.idx.add.f32.msk $0xffff, v4  }
0xfd: {  	[tilespmem:s29], [sflag:$0x1] =	stream.strided.gather @!p0 [hbm4b:s25+s26], $0x800, s28, s26, $0x38;
	[tilespmem:$0x9880] =	vst v63  }
0xfe: {  	_ =	swait.ge [sflag:s20], $0x800  }
0xff: {  	[sflag:s20] =	ssyncset.done $0x0  }
0x100: {  	s30 =	simm.s32 $0x1080;
	[sflag:s20] =	ssyncadd.s32 $0xFFFFF800  }
0x101: {  	v7 =	vld [tilespmem:s30+$0x0]  }
0x102: {  	s31 =	simm.s32 $0x0  }
0x103: {  	v8 =	vld [tilespmem:s31+$0x0];
	_ =	sdelay $0x2  }
0x104: {  	v7 =	vmul.f32 v7, v5;
	_ =	sdelay $0x1  }
0x105: {  	s26 =	simm.s32 $0x1090;
	v7 =	vadd.f32 v7, v8  }
0x106: {  	v8 =	vld [tilespmem:s26+$0x0]  }
0x107: {  	s30 =	simm.s32 $0x10;
	v9 =	vshra.s32 v7, $0x1F  }
0x108: {  	s31 =	simm.s32 $0x7FF;
	v10 =	vld [tilespmem:s30+$0x0];
	v7 =	vand.u32 $0xFFFFF800, v7;
	v9 =	vand.u32 $0x7FFFF800, v9  }
0x109: {  	v11 =	vadd.s32 s31, v1;
	s30 =	simm.s32 $0x10A0;
	v9 =	vxor.u32 v7, v9  }
0x10a: {  	v13 =	vld [tilespmem:s30+$0x0];
	v7 =	vimm.s32 $0x80000000;
	v9 =	vor.u32 v11, v9  }
0x10b: {  	v8 =	vmul.f32 v8, v5;
	vm0 =	vlt.s32 v7, v9  }
0x10c: {  	v11 =	vsel vm0, v7, v9  }
0x10d: {  	s31 =	simm.s32 $0x7EF;
	v8 =	vadd.f32 v8, v10;
	vm1 =	vlt.s32 v7, v11  }
0x10e: {  	v18 =	vadd.s32 s31, v1;
	v10 =	vsel vm1, v7, v11  }
0x10f: {  	v13 =	vmul.f32 v13, v5;
	v12 =	vshra.s32 v8, $0x1F;
	vm2 =	vlt.s32 v7, v10  }
0x110: {  	s25 =	simm.s32 $0x20;
	v8 =	vand.u32 $0xFFFFF800, v8;
	v12 =	vand.u32 $0x7FFFF800, v12;
	v14 =	vsel vm2, v7, v10  }
0x111: {  	v17 =	vsel vm0, v9, v7;
	v8 =	vxor.u32 v8, v12;
	v12 =	vld [tilespmem:s25+$0x0];
	vm3 =	vlt.s32 v7, v14  }
0x112: {  	v16 =	vsel vm1, v11, v7;
	v19 =	vor.u32 v18, v8;
	v9 =	vsel vm3, v7, v14  }
0x113: {  	v15 =	vsel vm2, v10, v7;
	vm1 =	vlt.s32 v17, v19;
	vm0 =	vlt.s32 v7, v9  }
0x114: {  	v20 =	vsel vm1, v17, v19;
	v11 =	vsel vm0, v9, v7;
	v9 =	vsel vm0, v7, v9  }
0x115: {  	v14 =	vsel vm3, v14, v7;
	vm3 =	vlt.s32 v16, v20;
	vm0 =	vlt.s32 v7, v9  }
0x116: {  	v13 =	vadd.f32 v13, v12;
	v18 =	vsel vm3, v16, v20;
	v8 =	vsel vm0, v7, v9  }
0x117: {  	v10 =	vsel vm0, v9, v7;
	vm2 =	vlt.s32 v15, v18;
	vm0 =	vlt.s32 v7, v8  }
0x118: {  	v9 =	vsel vm0, v8, v7;
	v12 =	vsel vm0, v7, v8;
	v8 =	vshra.s32 v13, $0x1F  }
0x119: {  	v13 =	vand.u32 $0xFFFFF800, v13;
	v8 =	vand.u32 $0x7FFFF800, v8;
	vm0 =	vlt.s32 v7, v12  }
0x11a: {  	s28 =	simm.s32 $0x7DF;
	s29 =	simm.s32 $0x10B0;
	s26 =	simm.s32 $0x7CF;
	v21 =	vxor.u32 v13, v8;
	v13 =	vsel vm0, v7, v12;
	v8 =	vimm.s32 $0x80000000  }
.LBB2_12:
0x11b: {  	v22 =	vld [tilespmem:s29+$0x0];
	p1 =	sne.s32 s26, $0xF;
	v23 =	vsel vm2, v15, v18;
	v7 =	vsel vm0, v12, v7;
	vm0 =	vgt.s32 v8, v13;
	s30 =	smov.u32 s26;
	s26 =	sadd.s32 $0xFFFFFFF0, s26  }
0x11c: {  	s25 =	sadd.s32 $0x10, s25;
	v17 =	vsel vm1, v19, v17;
	vm1 =	vlt.s32 v14, v23;
	v8 =	vsel vm0, v8, v13  }
0x11d: {  	v16 =	vsel vm3, v20, v16;
	v12 =	vld [tilespmem:s25+$0x0];
	v13 =	vsel vm1, v14, v23;
	v14 =	vsel vm1, v23, v14  }
0x11e: {  	vm0 =	vlt.s32 v11, v13  }
0x11f: {  	v19 =	vadd.s32 s28, v1;
	s28 =	smov.u32 s30;
	v20 =	vsel vm0, v11, v13;
	v11 =	vsel vm0, v13, v11  }
0x120: {  	v15 =	vsel vm2, v18, v15;
	v13 =	vmul.f32 v22, v5;
	vm0 =	vlt.s32 v10, v20  }
0x121: {  	v19 =	vor.u32 v19, v21;
	v18 =	vsel vm0, v10, v20;
	v10 =	vsel vm0, v20, v10  }
.Ltmp7:
0x122: {  	vm1 =	vlt.s32 v17, v19;
	v13 =	vadd.f32 v13, v12;
	vm0 =	vlt.s32 v9, v18;
	(pc) =	sbr.rel @p1 .LBB2_12-.Ltmp7, $4  }
0x123: {  	v20 =	vsel vm1, v17, v19;
	v12 =	vsel vm0, v9, v18;
	v9 =	vsel vm0, v18, v9  }
0x124: {  	vm3 =	vlt.s32 v16, v20;
	v18 =	vshra.s32 v13, $0x1F;
	v13 =	vand.u32 $0xFFFFF800, v13  }
0x125: {  	vm0 =	vlt.s32 v7, v12;
	v21 =	vand.u32 $0x7FFFF800, v18;
	v18 =	vsel vm3, v16, v20  }
0x126: {  	s29 =	sadd.s32 $0x10, s29;
	v21 =	vxor.u32 v13, v21;
	vm2 =	vlt.s32 v15, v18;
	v13 =	vsel vm0, v7, v12  }
0x127: {  	v22 =	vadd.s32 s28, v1  }
0x128: {  	v17 =	vsel vm1, v19, v17;
	v49 =	vor.u32 v22, v21  }
0x129: {  	vm1 =	vlt.s32 v17, v49  }
0x12a: {  	v16 =	vsel vm3, v20, v16;
	v50 =	vsel vm1, v17, v49  }
0x12b: {  	v17 =	vsel vm1, v49, v17;
	vm3 =	vlt.s32 v16, v50  }
0x12c: {  	v52 =	vxor.u32 $0x80000000, v17;
	v51 =	vsel vm3, v50, v16  }
0x12d: {  	(xrf1) =	vsort.ascd.msk.u32 $0xffff, v52, v17;
	v53 =	vxor.u32 $0x80000000, v51  }
0x12e: {  	(xrf1) =	vsort.ascd.msk.u32 $0xffff, v53, v51;
	_ =	sdelay $0xc  }
0x12f: {  	v54, _, _ =	vpop (xrf1)  }
0x130: {  	v19, _, _ =	vpop (xrf1)  }
0x131: {  	v19 =	vxor.u32 $0x80000000, v19  }
0x132: {  	v19 =	vperm.xlane v19, v3  }
0x133: {  	v17 =	vxor.u32 $0x80000000, v54  }
0x134: {  	v55 =	vsel vm2, v18, v15;
	v16 =	vsel vm3, v16, v50;
	vm1 =	vgt.s32 v17, v19  }
0x135: {  	vm3 =	vlt.s32 v55, v16;
	v56 =	vsel vm1, v17, v19  }
0x136: {  	v57 =	vsel vm3, v16, v55;
	v23 =	vxor.u32 $0x80000000, v56  }
0x137: {  	v58 =	vxor.u32 $0x80000000, v57;
	(xrf1) =	vsort.ascd.msk.u32 $0xffff, v23, v56  }
0x138: {  	(xrf1) =	vsort.ascd.msk.u32 $0xffff, v58, v57;
	_ =	sdelay $0xc  }
0x139: {  	v59, _, _ =	vpop (xrf1)  }
0x13a: {  	v22, _, _ =	vpop (xrf1)  }
0x13b: {  	v22 =	vxor.u32 $0x80000000, v22  }
0x13c: {  	v60 =	vsel vm2, v15, v18;
	v18 =	vperm.xlane v22, v3  }
0x13d: {  	vm4 =	vlt.s32 v14, v60;
	v20 =	vxor.u32 $0x80000000, v59  }
0x13e: {  	v61 =	vsel vm4, v60, v14;
	v16 =	vsel vm3, v55, v16;
	vm2 =	vlt.s32 v20, v18  }
0x13f: {  	vm3 =	vlt.s32 v61, v16;
	v62 =	vsel vm2, v18, v20  }
0x140: {  	v63 =	vsel vm3, v16, v61;
	v24 =	vxor.u32 $0x80000000, v62  }
0x141: {  	v28 =	vxor.u32 $0x80000000, v63;
	(xrf1) =	vsort.ascd.msk.u32 $0xffff, v24, v62  }
0x142: {  	(xrf1) =	vsort.ascd.msk.u32 $0xffff, v28, v63;
	_ =	sdelay $0xc  }
0x143: {  	v29, _, _ =	vpop (xrf1)  }
0x144: {  	v23, _, _ =	vpop (xrf1)  }
0x145: {  	v23 =	vxor.u32 $0x80000000, v23  }
0x146: {  	v30 =	vsel vm4, v14, v60;
	v31 =	vperm.xlane v23, v3  }
0x147: {  	vm4 =	vlt.s32 v11, v30;
	v21 =	vxor.u32 $0x80000000, v29  }
0x148: {  	v32 =	vsel vm4, v30, v11;
	v16 =	vsel vm3, v61, v16;
	vm3 =	vlt.s32 v21, v31  }
0x149: {  	vm5 =	vlt.s32 v32, v16;
	v33 =	vsel vm3, v31, v21  }
0x14a: {  	v34 =	vsel vm5, v16, v32;
	v25 =	vxor.u32 $0x80000000, v33  }
0x14b: {  	v35 =	vxor.u32 $0x80000000, v34;
	(xrf1) =	vsort.ascd.msk.u32 $0xffff, v25, v33  }
0x14c: {  	(xrf1) =	vsort.ascd.msk.u32 $0xffff, v35, v34;
	_ =	sdelay $0xc  }
0x14d: {  	v36, _, _ =	vpop (xrf1)  }
0x14e: {  	v24, _, _ =	vpop (xrf1)  }
0x14f: {  	v24 =	vxor.u32 $0x80000000, v24  }
0x150: {  	v37 =	vsel vm4, v11, v30;
	v38 =	vperm.xlane v24, v3  }
0x151: {  	vm6 =	vlt.s32 v10, v37;
	v22 =	vxor.u32 $0x80000000, v36  }
0x152: {  	v39 =	vsel vm6, v37, v10;
	v16 =	vsel vm5, v32, v16;
	vm12 =	vlt.s32 v22, v38  }
0x153: {  	vm5 =	vlt.s32 v39, v16;
	v40 =	vsel vm12, v38, v22  }
0x154: {  	v41 =	vsel vm5, v16, v39;
	v26 =	vxor.u32 $0x80000000, v40  }
0x155: {  	v42 =	vxor.u32 $0x80000000, v41;
	(xrf1) =	vsort.ascd.msk.u32 $0xffff, v26, v40  }
0x156: {  	(xrf1) =	vsort.ascd.msk.u32 $0xffff, v42, v41;
	_ =	sdelay $0xc  }
0x157: {  	v43, _, _ =	vpop (xrf1)  }
0x158: {  	v25, _, _ =	vpop (xrf1)  }
0x159: {  	v25 =	vxor.u32 $0x80000000, v25  }
0x15a: {  	v44 =	vsel vm6, v10, v37;
	v45 =	vperm.xlane v25, v3  }
0x15b: {  	vm6 =	vlt.s32 v9, v44;
	v23 =	vxor.u32 $0x80000000, v43  }
0x15c: {  	v46 =	vsel vm6, v44, v9;
	v16 =	vsel vm5, v39, v16;
	vm13 =	vlt.s32 v23, v45  }
0x15d: {  	vm7 =	vlt.s32 v46, v16;
	v47 =	vsel vm13, v45, v23  }
0x15e: {  	v48 =	vsel vm7, v16, v46;
	v27 =	vxor.u32 $0x80000000, v47  }
0x15f: {  	v49 =	vxor.u32 $0x80000000, v48;
	(xrf1) =	vsort.ascd.msk.u32 $0xffff, v27, v47  }
0x160: {  	(xrf1) =	vsort.ascd.msk.u32 $0xffff, v49, v48;
	_ =	sdelay $0xc  }
0x161: {  	v50, _, _ =	vpop (xrf1)  }
0x162: {  	v26, _, _ =	vpop (xrf1)  }
0x163: {  	v26 =	vxor.u32 $0x80000000, v26  }
0x164: {  	v7 =	vsel vm0, v12, v7;
	v51 =	vsel vm6, v9, v44;
	v52 =	vperm.xlane v26, v3  }
0x165: {  	vm6 =	vlt.s32 v7, v51;
	v53 =	vxor.u32 $0x80000000, v50  }
0x166: {  	v16 =	vsel vm7, v46, v16;
	v54 =	vsel vm6, v51, v7;
	vm14 =	vlt.s32 v53, v52  }
0x167: {  	vm7 =	vlt.s32 v54, v16;
	v55 =	vsel vm14, v52, v53  }
0x168: {  	v56 =	vsel vm7, v16, v54;
	v57 =	vxor.u32 $0x80000000, v55  }
0x169: {  	v58 =	vxor.u32 $0x80000000, v56;
	(xrf1) =	vsort.ascd.msk.u32 $0xffff, v57, v55  }
0x16a: {  	(xrf1) =	vsort.ascd.msk.u32 $0xffff, v58, v56;
	_ =	sdelay $0xc  }
0x16b: {  	vm8 =	vgt.s32 v8, v13;
	v59, _, _ =	vpop (xrf1)  }
0x16c: {  	v8 =	vsel vm8, v8, v13;
	v7 =	vsel vm6, v7, v51;
	v26, _, _ =	vpop (xrf1)  }
0x16d: {  	vm6 =	vgt.s32 v8, v7;
	v60 =	vxor.u32 $0x80000000, v26  }
0x16e: {  	v7 =	vsel vm6, v8, v7;
	v8 =	vsel vm7, v54, v16;
	v9 =	vperm.xlane v60, v3  }
0x16f: {  	vm6 =	vgt.s32 v7, v8;
	v61 =	vxor.u32 $0x80000000, v59  }
0x170: {  	v7 =	vsel vm6, v7, v8;
	v8 =	vsel vm1, v19, v17;
	vm15 =	vlt.s32 v61, v9  }
0x171: {  	vm1 =	vgt.s32 v7, v8;
	v62 =	vsel vm15, v9, v61  }
0x172: {  	v7 =	vsel vm1, v7, v8;
	v8 =	vsel vm2, v20, v18;
	v63 =	vxor.u32 $0x80000000, v62  }
0x173: {  	vm1 =	vgt.s32 v7, v8;
	(xrf1) =	vsort.ascd.msk.u32 $0xffff, v63, v62  }
0x174: {  	v7 =	vsel vm1, v7, v8;
	v8 =	vsel vm3, v21, v31  }
0x175: {  	vm1 =	vgt.s32 v7, v8  }
0x176: {  	v7 =	vsel vm1, v7, v8;
	v8 =	vsel vm12, v22, v38  }
0x177: {  	vm1 =	vgt.s32 v7, v8  }
0x178: {  	v7 =	vsel vm1, v7, v8;
	v8 =	vsel vm13, v23, v45  }
0x179: {  	vm1 =	vgt.s32 v7, v8  }
0x17a: {  	v7 =	vsel vm1, v7, v8;
	v8 =	vsel vm14, v53, v52  }
0x17b: {  	vm0 =	vgt.s32 v7, v8  }
0x17c: {  	v7 =	vsel vm0, v7, v8;
	v8 =	vsel vm15, v61, v9  }
0x17d: {  	vm0 =	vgt.s32 v7, v8  }
0x17e: {  	v7 =	vsel vm0, v7, v8;
	_ =	sdelay $0x1  }
0x17f: {  	v8 =	vxor.u32 $0x80000000, v7  }
0x180: {  	(xrf0) =	vmax.scan.msk.u32 $0xffff, v8;
	v7, _, _ =	vpop (xrf1)  }
0x181: {  	(xrf0) =	vmin.scan.msk.u32 $0xffff, v7;
	_ =	sdelay $0x4  }
0x182: {  	v8, _, _ =	vpop (xrf0)  }
0x183: {  	(v2sf) =	vpush v8, $0xF;
	v8, _, _ =	vpop (xrf0)  }
0x184: {  	(v2sf) =	vpush v8, $0xF;
	_ =	sdelay $0xd  }
0x185: {  	s25 =	spop (v2sf)  }
0x186: {  	s26 =	spop (v2sf)  }
0x187: {  	s25 =	sshra.s32 s25, $0xB;
	s26 =	sshra.s32 s26, $0xB  }
0x188: {  	s25 =	sxor.u32 $0xFFF00000, s25;
	s26 =	sxor.u32 $0xFFF00000, s26  }
0x189: {  	p1 =	slt.s32 s25, s26  }
.Ltmp8:
0x18a: {  	_ = 	snop;
	(pc) =	sbr.rel @!p1 .LBB2_15-.Ltmp8, $1  }
0x18b: {  	_ =	sdelay $0x3  }
.Ltmp9:
0x18c: {  	(pc) =	sbr.rel .LBB2_18-.Ltmp9, $2  }
0x18d: {  	_ =	sdelay $0x2  }
0x18e: {  	v7 =	vandn.u32 $0x7FF, v7  }
.LBB2_15:
0x18f: {  	s25 =	simm.s32 $0x1080  }
0x190: {  	v7 =	vld [tilespmem:s25+$0x0]  }
0x191: {  	s30 =	simm.s32 $0x0  }
0x192: {  	v8 =	vld [tilespmem:s30+$0x0];
	_ =	sdelay $0x2  }
0x193: {  	v7 =	vmul.f32 v7, v5;
	_ =	sdelay $0x1  }
0x194: {  	v7 =	vadd.f32 v7, v8  }
0x195: {  	v8 =	vor.u32 s30, v0  }
0x196: {  	(xrf1) =	vsort.ascd.msk.f32 $0xffff, v7, v8;
	_ =	sdelay $0x6  }
0x197: {  	s31 =	simm.s32 $0x1090  }
0x198: {  	v7 =	vld [tilespmem:s31+$0x0]  }
0x199: {  	s25 =	simm.s32 $0x10  }
0x19a: {  	v8 =	vld [tilespmem:s25+$0x0];
	_ =	sdelay $0x2  }
0x19b: {  	v7 =	vmul.f32 v7, v5  }
0x19c: {  	v9, v10, _ =	vpop (xrf1)  }
0x19d: {  	v7 =	vadd.f32 v7, v8;
	v9 =	vperm.xlane v9, v3  }
0x19e: {  	v11 =	vimm.f32 $-Inf;
	v12 =	vor.u32 s25, v0;
	v8 =	vperm.xlane v10, v3  }
0x19f: {  	v63 =	vimm.s32 $0x0;
	(xrf1) =	vsort.ascd.msk.f32 $0xffff, v7, v12;
	vm0 =	vge.f32 v11, v9  }
0x1a0: {  	v7 =	vsel vm0, v11, v9;
	v8 =	vsel vm0, v63, v8  }
0x1a1: {  	(xrf1) =	vsort.ascd.msk.f32 $0xffff, v7, v8;
	_ =	sdelay $0x4  }
0x1a2: {  	s28 =	simm.s32 $0x10A0  }
0x1a3: {  	s26 =	simm.s32 $0x20;
	s29 =	simm.s32 $0x30;
	v7 =	vld [tilespmem:s28+$0x0]  }
.LBB2_16:
0x1a4: {  	p1 =	sne.s32 s29, $0x7F0;
	s25 =	sadd.s32 $0x10, s25  }
0x1a5: {  	v8 =	vld [tilespmem:s25+$0x0];
	_ =	sdelay $0x2  }
0x1a6: {  	v7 =	vmul.f32 v7, v5  }
0x1a7: {  	v9, v10, _ =	vpop (xrf1)  }
0x1a8: {  	v7 =	vadd.f32 v7, v8;
	v8 =	vperm.xlane v9, v3  }
0x1a9: {  	v9 =	vor.u32 s26, v0;
	v10 =	vperm.xlane v10, v3;
	s26 =	smov.u32 s29;
	v11, v12, _ =	vpop (xrf1)  }
0x1aa: {  	(xrf1) =	vsort.ascd.msk.f32 $0xffff, v7, v9;
	vm0 =	vge.f32 v11, v8  }
0x1ab: {  	v7 =	vsel vm0, v11, v8;
	v8 =	vsel vm0, v12, v10  }
0x1ac: {  	(xrf1) =	vsort.ascd.msk.f32 $0xffff, v7, v8;
	_ =	sdelay $0x1  }
.Ltmp10:
0x1ad: {  	(pc) =	sbr.rel @p1 .LBB2_16-.Ltmp10, $3  }
0x1ae: {  	_ =	sdelay $0x1  }
0x1af: {  	s28 =	sadd.s32 $0x10, s28  }
0x1b0: {  	s29 =	sadd.s32 $0x10, s29;
	v7 =	vld [tilespmem:s28+$0x0]  }
0x1b1: {  	s25 =	sadd.s32 $0x10, s25  }
0x1b2: {  	v8 =	vld [tilespmem:s25+$0x0];
	_ =	sdelay $0x2  }
0x1b3: {  	v7 =	vmul.f32 v7, v5  }
0x1b4: {  	v9, v10, _ =	vpop (xrf1)  }
0x1b5: {  	v7 =	vadd.f32 v7, v8;
	v8 =	vperm.xlane v9, v3  }
0x1b6: {  	v61 =	vor.u32 s26, v0;
	v10 =	vperm.xlane v10, v3;
	v11, v12, _ =	vpop (xrf1)  }
0x1b7: {  	(xrf1) =	vsort.ascd.msk.f32 $0xffff, v7, v61;
	vm0 =	vge.f32 v11, v8  }
0x1b8: {  	v7 =	vsel vm0, v11, v8;
	v8 =	vsel vm0, v12, v10  }
0x1b9: {  	(xrf1) =	vsort.ascd.msk.f32 $0xffff, v7, v8;
	_ =	sdelay $0xb  }
0x1ba: {  	v7, v8, _ =	vpop (xrf1)  }
0x1bb: {  	v7 =	vperm.xlane v7, v3  }
0x1bc: {  	v8 =	vperm.xlane v8, v3;
	v62, v63, _ =	vpop (xrf1)  }
0x1bd: {  	vm15 =	vge.f32 v62, v7  }
0x1be: {  	v7 =	vsel vm15, v62, v7;
	v8 =	vsel vm15, v63, v8  }
0x1bf: {  	(xrf1) =	vsort.ascd.msk.f32 $0xffff, v7, v8;
	_ =	sdelay $0xd  }
0x1c0: {  	v8, v7, _ =	vpop (xrf1)  }
.LBB2_18:
0x1c1: {  	v8 =	vxor.u32 $0x80000000, v7  }
0x1c2: {  	(xrf1) =	vsort.ascd.msk.u32 $0xffff, v8, v7;
	_ =	sdelay $0xd  }
0x1c3: {  	v7, _, _ =	vpop (xrf1)  }
0x1c4: {  	v63 =	vxor.u32 $0x80000000, v7  }
0x1c5: {  	v6 =	vadd.s32 v6, v63  }
0x1c6: {  	v7 =	vand.u32 $0x7F, v7;
	v6 =	vand.u32 $0xFFFFFF80, v6  }
0x1c7: {  	v6 =	vor.u32 v7, v6  }
.Ltmp11:
0x1c8: {  	_ = 	snop;
	(pc) =	sbr.rel @p0 .LBB2_20-.Ltmp11, $2  }
0x1c9: {  	_ =	sdelay $0x2  }
0x1ca: {  	[tilespmem:v6+s19+$0x0] =	vst.idx.add.f32.msk $0xffff, v4  }
0x1cb: {  	s24 =	sadd.s32 $0x3, s24  }
0x1cc: {  	s25 =	sshll.u32 s24, $0xB  }
0x1cd: {  	s24 =	sshll.u32 s24, $0x7;
	s25 =	sand.u32 $0x7C000, s25  }
.Ltmp12:
0x1ce: {  	s24 =	sand.u32 $0x380, s24;
	s25 =	sadd.s32 s7, s25;
	(pc) =	sbr.rel .LBB2_4-.Ltmp12, $4  }
0x1cf: {  	s24 =	sor.u32 s24, s25  }
0x1d0: {  	s24 =	sshrl.u32 s24, $0x3  }
0x1d1: {  	s23 =	sadd.s32 $0x1, s23;
	s24 =	sadd.s32 s4, s24  }
0x1d2: {  	[tilespmem:s18], [sflag:$0x2] =	stream.strided.gather [hbm4b:s24+s13], $0x800, s14, s13, $0x38;
	[tilespmem:$0x9880] =	vst v63  }
.LBB2_21:
0x1d3: {  	_ =	sfence.sel $0x180000  }
0x1d4: {  	[bflag:$0x0] =	sbarrier.arrive $0xFFFF  }
0x1d5: {  	p0 =	sne.s32 s1, $0x0;
	_ =	strace $0x90000047  }
0x1d6: {  	s0 =	sadd.s32 @!p0 $0x100000, s0;
	[bflag:$0x2] =	sbarrier.arrive $0xFFFF  }
0x1d7: {  	[sflag:s0] =	ssyncadd.tile.s32 @!p0 $0x1;
	_ =	shalt  }
.Lfunc_end2:
_tile_overlayer_lowered:
.L_overlay_start_2:
0x1d8: {  	(tag) =	ssettag $0x2  }
0x1d9: {  	s0 =	rddreg [dreg:$0x0];
	s2 =	stileid.u32  }
0x1da: {  	s1 =	rddreg [dreg:$0x1];
	p0 =	sne.s32 s2, $0x0  }
0x1db: {  	s3 =	rddreg [dreg:$0x2];
	[bflag:$0x3] =	sbarrier.arrive $0xFFFF;
	s2 =	simm.s32 @!p0 $0x1C03  }
0x1dc: {  	[timem:s3], [sflag:s2] =	dma.local @!p0 [hbm:s0], s1  }
0x1dd: {  	s0 =	simm.s32 @!p0 $0x3  }
0x1de: {  	_ =	swait.ge @!p0 [sflag:s0], s1  }
0x1df: {  	s1 =	ssub.s32 @!p0 $0x0, s1;
	[sflag:s0] =	ssyncset.done @!p0 $0x0  }
0x1e0: {  	[sflag:s0] =	ssyncadd.s32 @!p0 s1  }
0x1e1: {  	[bflag:$0x3] =	sbarrier.arrive $0xFFFF  }
0x1e2: {  	_ =	shalt  }

</sc_bundles>
